<compile_context>
chip_gen: v7x
topology: tpu7x:2x2x1
jax: 0.10.2.dev20260603
libtpu: 0.0.44.dev20260713+nightly
codegen_flags: <defaults>
</compile_context>

<pallas_src>
import functools

import jax
import jax.numpy as jnp
from jax import lax
from jax.experimental import pallas as pl
from jax.experimental.pallas import tpu as pltpu
from jax.experimental.pallas import tpu_sc as plsc

_SCALING = 8.0
_T, _H, _I, _ER = 2048, 1024, 512, 15
_TB = 512
_GR = _T * 2 // _TB + _ER
_RR = _GR * _TB
_NC, _NS = 2, 16
_NW = _NC * _NS
_TPW = _T // _NW


def _router_body(x_ref, wr_ref, bias_ref, w1_ref, w2_ref, p1_ref, p2_ref,
                 te_ref, act_ref):
    t, e128 = _T, 128
    logits = lax.dot_general(
        x_ref[...], wr_ref[...],
        dimension_numbers=(((1,), (1,)), ((), ())),
        preferred_element_type=jnp.float32,
    ) + bias_ref[...]
    probs = jax.nn.sigmoid(logits)
    col = lax.broadcasted_iota(jnp.int32, (t, e128), 1)
    probs = jnp.where(col < _ER, probs, -1.0)
    m1 = jnp.max(probs, axis=1, keepdims=True)
    i1 = jnp.min(jnp.where(probs == m1, col, e128), axis=1, keepdims=True)
    oh1 = col == i1
    probs2 = jnp.where(oh1, -2.0, probs)
    m2 = jnp.max(probs2, axis=1, keepdims=True)
    i2 = jnp.min(jnp.where(probs2 == m2, col, e128), axis=1, keepdims=True)
    oh2 = col == i2
    denom = m1 + m2
    w1_ref[...] = m1 / denom
    w2_ref[...] = m2 / denom

    a = (oh1 | oh2).astype(jnp.float32)
    rr = lax.broadcasted_iota(jnp.int32, (t, t), 0)
    cc = lax.broadcasted_iota(jnp.int32, (t, t), 1)
    ltri = (cc < rr).astype(jnp.float32)
    cum = lax.dot_general(
        ltri, a, dimension_numbers=(((1,), (0,)), ((), ())),
        preferred_element_type=jnp.float32,
    )
    cnt = jnp.sum(a, axis=0, keepdims=True)
    padded = jnp.floor((cnt + (_TB - 1)) * (1.0 / _TB)) * _TB
    ea_ = lax.broadcasted_iota(jnp.int32, (e128, e128), 0)
    eb_ = lax.broadcasted_iota(jnp.int32, (e128, e128), 1)
    utri = (ea_ < eb_).astype(jnp.float32)
    off = lax.dot_general(
        padded, utri, dimension_numbers=(((1,), (0,)), ((), ())),
        preferred_element_type=jnp.float32,
    )
    dest = off + cum
    p1_ref[...] = jnp.sum(jnp.where(oh1, dest, 0.0), axis=1,
                          keepdims=True).astype(jnp.int32)
    p2_ref[...] = jnp.sum(jnp.where(oh2, dest, 0.0), axis=1,
                          keepdims=True).astype(jnp.int32)

    ti = lax.broadcasted_iota(jnp.int32, (48, e128), 0)
    te_col = lax.broadcasted_iota(jnp.int32, (48, e128), 1)
    ts = (ti * _TB).astype(jnp.float32)
    hit = (off <= ts) & (te_col < _ER)
    routed_e = jnp.sum(hit.astype(jnp.float32), axis=1, keepdims=True) - 1.0
    te_ref[...] = routed_e.astype(jnp.int32)
    te_oh = te_col == routed_e.astype(jnp.int32)
    tile_end = jnp.sum(jnp.where(te_oh, off + cnt, 0.0), axis=1,
                       keepdims=True)
    act_ref[...] = (ts[:, :1] < tile_end).astype(jnp.int32)


def _dispatch_body(x_hbm, p1_hbm, p2_hbm, xs_hbm, idx1_v, idx2_v, rows_v,
                   sem):
    wid = lax.axis_index("s") * _NC + lax.axis_index("c")
    base = wid * _TPW
    pltpu.sync_copy(p1_hbm.at[pl.ds(base, _TPW)], idx1_v)
    pltpu.sync_copy(p2_hbm.at[pl.ds(base, _TPW)], idx2_v)
    pltpu.sync_copy(x_hbm.at[pl.ds(base, _TPW)], rows_v)
    d1 = pltpu.async_copy(rows_v, xs_hbm.at[idx1_v], sem)
    d2 = pltpu.async_copy(rows_v, xs_hbm.at[idx2_v], sem)
    d1.wait()
    d2.wait()


def _gather_body(eo_hbm, p1_hbm, p2_hbm, g1_hbm, g2_hbm, idx1_v, idx2_v,
                 rows1_v, rows2_v, sem):
    wid = lax.axis_index("s") * _NC + lax.axis_index("c")
    base = wid * _TPW
    half = _TPW // 2
    pltpu.sync_copy(p1_hbm.at[pl.ds(base, _TPW)], idx1_v)
    pltpu.sync_copy(p2_hbm.at[pl.ds(base, _TPW)], idx2_v)
    for c in range(2):
        cb = c * half
        d1 = pltpu.async_copy(eo_hbm.at[idx1_v.at[pl.ds(cb, half)]], rows1_v,
                              sem)
        d2 = pltpu.async_copy(eo_hbm.at[idx2_v.at[pl.ds(cb, half)]], rows2_v,
                              sem)
        d1.wait()
        d2.wait()
        pltpu.sync_copy(rows1_v, g1_hbm.at[pl.ds(base + cb, half)])
        pltpu.sync_copy(rows2_v, g2_hbm.at[pl.ds(base + cb, half)])


def _ffn(xb, wg, wu, wd):
    g = lax.dot_general(
        xb, wg, dimension_numbers=(((1,), (1,)), ((), ())),
        preferred_element_type=jnp.float32,
    )
    u = lax.dot_general(
        xb, wu, dimension_numbers=(((1,), (1,)), ((), ())),
        preferred_element_type=jnp.float32,
    )
    inter = (g * jax.nn.sigmoid(g)) * u * (1.0 / _SCALING)
    return lax.dot_general(
        inter.astype(jnp.bfloat16), wd,
        dimension_numbers=(((1,), (1,)), ((), ())),
        preferred_element_type=jnp.float32,
    )


def _shared_body(x_ref, wg_ref, wu_ref, wd_ref, eo_ref):
    eo_ref[...] = _ffn(x_ref[...].astype(jnp.bfloat16),
                       wg_ref[...].astype(jnp.bfloat16),
                       wu_ref[...].astype(jnp.bfloat16),
                       wd_ref[...].astype(jnp.bfloat16))


def _gmm_body(te_ref, act_ref, xs_ref, wg_ref, wu_ref, wd_ref, eo_ref):
    i = pl.program_id(0)

    @pl.when(act_ref[i] == 1)
    def _do():
        eo_ref[...] = _ffn(xs_ref[...].astype(jnp.bfloat16),
                           wg_ref[0].astype(jnp.bfloat16),
                           wu_ref[0].astype(jnp.bfloat16),
                           wd_ref[0].astype(jnp.bfloat16))


def _combine_body(eo_ref, g1_ref, g2_ref, w1_ref, w2_ref, out_ref):
    out_ref[...] = (eo_ref[...] + w1_ref[...] * g1_ref[...]
                    + w2_ref[...] * g2_ref[...])


@jax.jit
def kernel(x, Wg_s, Wu_s, Wd_s, Wg, Wu, Wd, Wr, routing_bias):
    b, s, h = x.shape
    xf = x.reshape(_T, _H)

    wr_pad = jnp.zeros((128, _H), dtype=jnp.float32).at[:_ER].set(Wr)
    bias_pad = jnp.zeros((1, 128), dtype=jnp.float32).at[0, :_ER].set(
        routing_bias)

    w1, w2, p1, p2, te, act = pl.pallas_call(
        _router_body,
        out_shape=[
            jax.ShapeDtypeStruct((_T, 1), jnp.float32),
            jax.ShapeDtypeStruct((_T, 1), jnp.float32),
            jax.ShapeDtypeStruct((_T, 1), jnp.int32),
            jax.ShapeDtypeStruct((_T, 1), jnp.int32),
            jax.ShapeDtypeStruct((48, 1), jnp.int32),
            jax.ShapeDtypeStruct((48, 1), jnp.int32),
        ],
    )(xf, wr_pad, bias_pad)
    p1f = p1.reshape(_T)
    p2f = p2.reshape(_T)
    tef = te.reshape(48)
    actf = act.reshape(48)

    mesh = plsc.VectorSubcoreMesh(core_axis_name="c", subcore_axis_name="s",
                                  num_cores=_NC, num_subcores=_NS)
    xs = pl.kernel(
        _dispatch_body,
        out_type=jax.ShapeDtypeStruct((_RR, _H), jnp.float32),
        mesh=mesh,
        scratch_types=[
            pltpu.VMEM((_TPW,), jnp.int32),
            pltpu.VMEM((_TPW,), jnp.int32),
            pltpu.VMEM((_TPW, _H), jnp.float32),
            pltpu.SemaphoreType.DMA,
        ],
    )(xf, p1f, p2f)

    wg_sb = Wg_s
    wu_sb = Wu_s
    wd_sb = Wd_s
    nb = 2
    eo_s = pl.pallas_call(
        _shared_body,
        grid=(nb,),
        in_specs=[
            pl.BlockSpec((_T // nb, _H), lambda i: (i, 0)),
            pl.BlockSpec((_I, _H), lambda i: (0, 0)),
            pl.BlockSpec((_I, _H), lambda i: (0, 0)),
            pl.BlockSpec((_H, _I), lambda i: (0, 0)),
        ],
        out_specs=pl.BlockSpec((_T // nb, _H), lambda i: (i, 0)),
        out_shape=jax.ShapeDtypeStruct((_T, _H), jnp.float32),
    )(xf, wg_sb, wu_sb, wd_sb)

    wg_b = Wg
    wu_b = Wu
    wd_b = Wd
    eo_r = pl.pallas_call(
        _gmm_body,
        grid_spec=pltpu.PrefetchScalarGridSpec(
            num_scalar_prefetch=2,
            grid=(_GR,),
            in_specs=[
                pl.BlockSpec((_TB, _H), lambda i, te_s, a_s: (i, 0)),
                pl.BlockSpec((1, _I, _H),
                             lambda i, te_s, a_s: (te_s[i], 0, 0)),
                pl.BlockSpec((1, _I, _H),
                             lambda i, te_s, a_s: (te_s[i], 0, 0)),
                pl.BlockSpec((1, _H, _I),
                             lambda i, te_s, a_s: (te_s[i], 0, 0)),
            ],
            out_specs=pl.BlockSpec((_TB, _H), lambda i, te_s, a_s: (i, 0)),
        ),
        out_shape=jax.ShapeDtypeStruct((_RR, _H), jnp.float32),
    )(tef, actf, xs, wg_b, wu_b, wd_b)

    g1, g2 = pl.kernel(
        _gather_body,
        out_type=[
            jax.ShapeDtypeStruct((_T, _H), jnp.float32),
            jax.ShapeDtypeStruct((_T, _H), jnp.float32),
        ],
        mesh=mesh,
        scratch_types=[
            pltpu.VMEM((_TPW,), jnp.int32),
            pltpu.VMEM((_TPW,), jnp.int32),
            pltpu.VMEM((_TPW // 2, _H), jnp.float32),
            pltpu.VMEM((_TPW // 2, _H), jnp.float32),
            pltpu.SemaphoreType.DMA,
        ],
    )(eo_r, p1f, p2f)

    nb = 2
    out = pl.pallas_call(
        _combine_body,
        grid=(nb,),
        in_specs=[
            pl.BlockSpec((_T // nb, _H), lambda i: (i, 0)),
            pl.BlockSpec((_T // nb, _H), lambda i: (i, 0)),
            pl.BlockSpec((_T // nb, _H), lambda i: (i, 0)),
            pl.BlockSpec((_T // nb, 1), lambda i: (i, 0)),
            pl.BlockSpec((_T // nb, 1), lambda i: (i, 0)),
        ],
        out_specs=pl.BlockSpec((_T // nb, _H), lambda i: (i, 0)),
        out_shape=jax.ShapeDtypeStruct((_T, _H), jnp.float32),
    )(eo_s, g1, g2, w1, w2)

    return out.reshape(b, s, h)

# --- scband reference (transcript-rebuilt; emitter-appended) ---
"""Pipeline reference for scband-llama-decoder-layer-70738111365900 (READ-ONLY COPY).

The authoritative reference and input builder live on the scoring server;
editing this copy changes nothing except your own understanding.
"""

import jax, jax.numpy as jnp
import numpy as np

B, S, H, I, ER, K = 1, 2048, 1024, 512, 15, 2
SCALING = 8.0

def setup_inputs(seed: int = 0) -> dict:
    key = jax.random.key(seed)
    ks = jax.random.split(key, 9)
    s = 0.02
    x = jax.random.normal(ks[0], (B, S, H), dtype=jnp.float32)
    Wg_s = jax.random.normal(ks[1], (I, H), dtype=jnp.float32) * s
    Wu_s = jax.random.normal(ks[2], (I, H), dtype=jnp.float32) * s
    Wd_s = jax.random.normal(ks[3], (H, I), dtype=jnp.float32) * s
    Wg = jax.random.normal(ks[4], (ER, I, H), dtype=jnp.float32) * s
    Wu = jax.random.normal(ks[5], (ER, I, H), dtype=jnp.float32) * s
    Wd = jax.random.normal(ks[6], (ER, H, I), dtype=jnp.float32) * s
    Wr = jax.random.normal(ks[7], (ER, H), dtype=jnp.float32) * s
    routing_bias = jnp.zeros((ER,), dtype=jnp.float32)
    return {"x": x, "Wg_s": Wg_s, "Wu_s": Wu_s, "Wd_s": Wd_s, "Wg": Wg, "Wu": Wu, "Wd": Wd, "Wr": Wr, "routing_bias": routing_bias}

def _expert(xf, Wg, Wu, Wd):
    g = xf @ Wg.T
    a = jax.nn.silu(g)
    u = xf @ Wu.T
    inter = a * u / SCALING
    return inter @ Wd.T

def reference(x, Wg_s, Wu_s, Wd_s, Wg, Wu, Wd, Wr, routing_bias):
    b, s, h = x.shape
    xf = x.reshape(-1, h)
    # shared expert (num_shared_experts = 1)
    shared = _expert(xf, Wg_s, Wu_s, Wd_s)
    # sigmoid router with bias, top-k, renormalize
    logits = xf @ Wr.T + routing_bias
    probs = jax.nn.sigmoid(logits)
    scores, indices = jax.lax.top_k(probs, K)
    scores = scores / jnp.sum(scores, axis=-1, keepdims=True)
    # combine coefficients c[t, e] = sum_k scores[t, k] * 1{indices[t, k] == e}
    oh = jax.nn.one_hot(indices, ER, dtype=xf.dtype)  # [T, K, E]
    coeff = jnp.sum(scores[..., None] * oh, axis=1)   # [T, E]
    # routed experts (dense-over-experts, mathematically identical to masked dispatch)
    g = jnp.einsum('th,eih->tei', xf, Wg)
    u = jnp.einsum('th,eih->tei', xf, Wu)
    inter = jax.nn.silu(g) * u / SCALING
    eo = jnp.einsum('tei,ehi->teh', inter, Wd)        # [T, E, H]
    combined = jnp.sum(coeff[..., None] * eo, axis=1)  # [T, H]
    out = (shared + combined).reshape(b, s, h)
    return out

if __name__ == "__main__":
    import jax
    _d = setup_inputs()
    print(jax.jit(kernel)(*tuple(_d.values())))

</pallas_src>

<mosaic_0001>
#map = affine_map<(d0, d1) -> (0, 0)>
#map1 = affine_map<(d0, d1) -> (0)>
module attributes {stable_mosaic.version = 14 : i64} {
  func.func @_dispatch_body(%arg0: i32, %arg1: i32, %arg2: memref<2048x1024xf32, #tpu.memory_space<hbm>>, %arg3: memref<2048xi32, #tpu.memory_space<hbm>>, %arg4: memref<2048xi32, #tpu.memory_space<hbm>>, %arg5: memref<11776x1024xf32, #tpu.memory_space<hbm>>, %arg6: memref<64xi32, #tpu.memory_space<vmem>>, %arg7: memref<64xi32, #tpu.memory_space<vmem>>, %arg8: memref<64x1024xf32, #tpu.memory_space<vmem>>, %arg9: memref<!tpu.dma_semaphore, #tpu.memory_space<semaphore_mem>>) attributes {dimension_semantics = [#tpu.dimension_semantics<core_parallel>, #tpu.dimension_semantics<subcore_parallel>], iteration_bounds = array<i64: 2, 16>, scalar_prefetch = 0 : i64, scratch_operands = 4 : i64, tpu.core_type = #tpu.core_type<sc_vector_subcore>, window_params = [{transform_indices = #map}, {transform_indices = #map1}, {transform_indices = #map1}, {transform_indices = #map}]} {
    %mul3A = arith.constant 2 : i32
    %mul3A_0 = arith.muli %arg1, %mul3A : i32
    %add3A = arith.addi %mul3A_0, %arg0 : i32
    %mul3A_1 = arith.constant 64 : i32
    %mul3A_2 = arith.muli %add3A, %mul3A_1 : i32
    "tpu.region"() ({
      %run_scoped3A = tpu.sem_alloc : memref<!tpu.dma_semaphore, #tpu.memory_space<semaphore_mem>>
      %dma_start3A_13 = tpu.memref_slice %arg3[%mul3A_2] : memref<2048xi32, #tpu.memory_space<hbm>> -> memref<64xi32, #tpu.memory_space<hbm>>
      %dma_start3A_14 = tpu.memref_slice %arg3[%mul3A_2] : memref<2048xi32, #tpu.memory_space<hbm>> -> memref<64xi32, #tpu.memory_space<hbm>>
      tpu.enqueue_dma source(%dma_start3A_14 : memref<64xi32, #tpu.memory_space<hbm>>) target(%arg6 : memref<64xi32, #tpu.memory_space<vmem>>) target_semaphore(%run_scoped3A : memref<!tpu.dma_semaphore, #tpu.memory_space<semaphore_mem>>)
      %dma_wait3A_15 = tpu.memref_slice %arg3[%mul3A_2] : memref<2048xi32, #tpu.memory_space<hbm>> -> memref<64xi32, #tpu.memory_space<hbm>>
      %dma_wait3A_16 = tpu.memref_slice %arg3[%mul3A_2] : memref<2048xi32, #tpu.memory_space<hbm>> -> memref<64xi32, #tpu.memory_space<hbm>>
      tpu.wait_dma2 semaphore(%run_scoped3A : memref<!tpu.dma_semaphore, #tpu.memory_space<semaphore_mem>>) src(%dma_wait3A_16 : memref<64xi32, #tpu.memory_space<hbm>>) dst(%arg6 : memref<64xi32, #tpu.memory_space<vmem>>)
      tpu.yield
    }) : () -> ()
    "tpu.region"() ({
      %run_scoped3A = tpu.sem_alloc : memref<!tpu.dma_semaphore, #tpu.memory_space<semaphore_mem>>
      %dma_start3A_13 = tpu.memref_slice %arg4[%mul3A_2] : memref<2048xi32, #tpu.memory_space<hbm>> -> memref<64xi32, #tpu.memory_space<hbm>>
      %dma_start3A_14 = tpu.memref_slice %arg4[%mul3A_2] : memref<2048xi32, #tpu.memory_space<hbm>> -> memref<64xi32, #tpu.memory_space<hbm>>
      tpu.enqueue_dma source(%dma_start3A_14 : memref<64xi32, #tpu.memory_space<hbm>>) target(%arg7 : memref<64xi32, #tpu.memory_space<vmem>>) target_semaphore(%run_scoped3A : memref<!tpu.dma_semaphore, #tpu.memory_space<semaphore_mem>>)
      %dma_wait3A_15 = tpu.memref_slice %arg4[%mul3A_2] : memref<2048xi32, #tpu.memory_space<hbm>> -> memref<64xi32, #tpu.memory_space<hbm>>
      %dma_wait3A_16 = tpu.memref_slice %arg4[%mul3A_2] : memref<2048xi32, #tpu.memory_space<hbm>> -> memref<64xi32, #tpu.memory_space<hbm>>
      tpu.wait_dma2 semaphore(%run_scoped3A : memref<!tpu.dma_semaphore, #tpu.memory_space<semaphore_mem>>) src(%dma_wait3A_16 : memref<64xi32, #tpu.memory_space<hbm>>) dst(%arg7 : memref<64xi32, #tpu.memory_space<vmem>>)
      tpu.yield
    }) : () -> ()
    "tpu.region"() ({
      %run_scoped3A = tpu.sem_alloc : memref<!tpu.dma_semaphore, #tpu.memory_space<semaphore_mem>>
      %dma_start3A_13 = arith.constant 0 : i32
      %dma_start3A_14 = tpu.memref_slice %arg2[%mul3A_2, %dma_start3A_13] : memref<2048x1024xf32, #tpu.memory_space<hbm>> -> memref<64x1024xf32, #tpu.memory_space<hbm>>
      %dma_start3A_15 = arith.constant 0 : i32
      %dma_start3A_16 = tpu.memref_slice %arg2[%mul3A_2, %dma_start3A_15] : memref<2048x1024xf32, #tpu.memory_space<hbm>> -> memref<64x1024xf32, #tpu.memory_space<hbm>>
      tpu.enqueue_dma source(%dma_start3A_16 : memref<64x1024xf32, #tpu.memory_space<hbm>>) target(%arg8 : memref<64x1024xf32, #tpu.memory_space<vmem>>) target_semaphore(%run_scoped3A : memref<!tpu.dma_semaphore, #tpu.memory_space<semaphore_mem>>)
      %dma_wait3A_17 = arith.constant 0 : i32
      %dma_wait3A_18 = tpu.memref_slice %arg2[%mul3A_2, %dma_wait3A_17] : memref<2048x1024xf32, #tpu.memory_space<hbm>> -> memref<64x1024xf32, #tpu.memory_space<hbm>>
      %dma_wait3A_19 = arith.constant 0 : i32
      %dma_wait3A_20 = tpu.memref_slice %arg2[%mul3A_2, %dma_wait3A_19] : memref<2048x1024xf32, #tpu.memory_space<hbm>> -> memref<64x1024xf32, #tpu.memory_space<hbm>>
      tpu.wait_dma2 semaphore(%run_scoped3A : memref<!tpu.dma_semaphore, #tpu.memory_space<semaphore_mem>>) src(%dma_wait3A_20 : memref<64x1024xf32, #tpu.memory_space<hbm>>) dst(%arg8 : memref<64x1024xf32, #tpu.memory_space<vmem>>)
      tpu.yield
    }) : () -> ()
    %dma_start3A = arith.constant 0 : i32
    %dma_start3A_3 = arith.constant 0 : i32
    %dma_start3A_4 = tpu.memref_slice %arg5[%dma_start3A, %dma_start3A_3] : memref<11776x1024xf32, #tpu.memory_space<hbm>> -> memref<11776x1024xf32, #tpu.memory_space<hbm>>
    tpu.enqueue_indirect_dma source(%arg8 : memref<64x1024xf32, #tpu.memory_space<vmem>>) target(%dma_start3A_4 : memref<11776x1024xf32, #tpu.memory_space<hbm>>) offsets(%arg6 : memref<64xi32, #tpu.memory_space<vmem>>) semaphore(%arg9 : memref<!tpu.dma_semaphore, #tpu.memory_space<semaphore_mem>>)
    %dma_start3A_5 = arith.constant 0 : i32
    %dma_start3A_6 = arith.constant 0 : i32
    %dma_start3A_7 = tpu.memref_slice %arg5[%dma_start3A_5, %dma_start3A_6] : memref<11776x1024xf32, #tpu.memory_space<hbm>> -> memref<11776x1024xf32, #tpu.memory_space<hbm>>
    tpu.enqueue_indirect_dma source(%arg8 : memref<64x1024xf32, #tpu.memory_space<vmem>>) target(%dma_start3A_7 : memref<11776x1024xf32, #tpu.memory_space<hbm>>) offsets(%arg7 : memref<64xi32, #tpu.memory_space<vmem>>) semaphore(%arg9 : memref<!tpu.dma_semaphore, #tpu.memory_space<semaphore_mem>>)
    %dma_wait3A = arith.constant 0 : i32
    %dma_wait3A_8 = arith.constant 0 : i32
    %dma_wait3A_9 = tpu.memref_slice %arg5[%dma_wait3A, %dma_wait3A_8] : memref<11776x1024xf32, #tpu.memory_space<hbm>> -> memref<11776x1024xf32, #tpu.memory_space<hbm>>
    tpu.wait_indirect_dma semaphore(%arg9 : memref<!tpu.dma_semaphore, #tpu.memory_space<semaphore_mem>>) src(%arg8 : memref<64x1024xf32, #tpu.memory_space<vmem>>) dst(%dma_wait3A_9 : memref<11776x1024xf32, #tpu.memory_space<hbm>>)
    %dma_wait3A_10 = arith.constant 0 : i32
    %dma_wait3A_11 = arith.constant 0 : i32
    %dma_wait3A_12 = tpu.memref_slice %arg5[%dma_wait3A_10, %dma_wait3A_11] : memref<11776x1024xf32, #tpu.memory_space<hbm>> -> memref<11776x1024xf32, #tpu.memory_space<hbm>>
    tpu.wait_indirect_dma semaphore(%arg9 : memref<!tpu.dma_semaphore, #tpu.memory_space<semaphore_mem>>) src(%arg8 : memref<64x1024xf32, #tpu.memory_space<vmem>>) dst(%dma_wait3A_12 : memref<11776x1024xf32, #tpu.memory_space<hbm>>)
    return
  }
}

#map = affine_map<(d0, d1) -> (0, 0)>
#map1 = affine_map<(d0, d1) -> (0)>
module attributes {stable_mosaic.version = 14 : i64} {
  func.func @_gather_body(%arg0: i32, %arg1: i32, %arg2: memref<11776x1024xf32, #tpu.memory_space<hbm>>, %arg3: memref<2048xi32, #tpu.memory_space<hbm>>, %arg4: memref<2048xi32, #tpu.memory_space<hbm>>, %arg5: memref<2048x1024xf32, #tpu.memory_space<hbm>>, %arg6: memref<2048x1024xf32, #tpu.memory_space<hbm>>, %arg7: memref<64xi32, #tpu.memory_space<vmem>>, %arg8: memref<64xi32, #tpu.memory_space<vmem>>, %arg9: memref<32x1024xf32, #tpu.memory_space<vmem>>, %arg10: memref<32x1024xf32, #tpu.memory_space<vmem>>, %arg11: memref<!tpu.dma_semaphore, #tpu.memory_space<semaphore_mem>>) attributes {dimension_semantics = [#tpu.dimension_semantics<core_parallel>, #tpu.dimension_semantics<subcore_parallel>], iteration_bounds = array<i64: 2, 16>, scalar_prefetch = 0 : i64, scratch_operands = 5 : i64, tpu.core_type = #tpu.core_type<sc_vector_subcore>, window_params = [{transform_indices = #map}, {transform_indices = #map1}, {transform_indices = #map1}, {transform_indices = #map}, {transform_indices = #map}]} {
    %mul3A = arith.constant 2 : i32
    %mul3A_0 = arith.muli %arg1, %mul3A : i32
    %add3A = arith.addi %mul3A_0, %arg0 : i32
    %mul3A_1 = arith.constant 64 : i32
    %mul3A_2 = arith.muli %add3A, %mul3A_1 : i32
    "tpu.region"() ({
      %run_scoped3A = tpu.sem_alloc : memref<!tpu.dma_semaphore, #tpu.memory_space<semaphore_mem>>
      %dma_start3A_49 = tpu.memref_slice %arg3[%mul3A_2] : memref<2048xi32, #tpu.memory_space<hbm>> -> memref<64xi32, #tpu.memory_space<hbm>>
      %dma_start3A_50 = tpu.memref_slice %arg3[%mul3A_2] : memref<2048xi32, #tpu.memory_space<hbm>> -> memref<64xi32, #tpu.memory_space<hbm>>
      tpu.enqueue_dma source(%dma_start3A_50 : memref<64xi32, #tpu.memory_space<hbm>>) target(%arg7 : memref<64xi32, #tpu.memory_space<vmem>>) target_semaphore(%run_scoped3A : memref<!tpu.dma_semaphore, #tpu.memory_space<semaphore_mem>>)
      %dma_wait3A_51 = tpu.memref_slice %arg3[%mul3A_2] : memref<2048xi32, #tpu.memory_space<hbm>> -> memref<64xi32, #tpu.memory_space<hbm>>
      %dma_wait3A_52 = tpu.memref_slice %arg3[%mul3A_2] : memref<2048xi32, #tpu.memory_space<hbm>> -> memref<64xi32, #tpu.memory_space<hbm>>
      tpu.wait_dma2 semaphore(%run_scoped3A : memref<!tpu.dma_semaphore, #tpu.memory_space<semaphore_mem>>) src(%dma_wait3A_52 : memref<64xi32, #tpu.memory_space<hbm>>) dst(%arg7 : memref<64xi32, #tpu.memory_space<vmem>>)
      tpu.yield
    }) : () -> ()
    "tpu.region"() ({
      %run_scoped3A = tpu.sem_alloc : memref<!tpu.dma_semaphore, #tpu.memory_space<semaphore_mem>>
      %dma_start3A_49 = tpu.memref_slice %arg4[%mul3A_2] : memref<2048xi32, #tpu.memory_space<hbm>> -> memref<64xi32, #tpu.memory_space<hbm>>
      %dma_start3A_50 = tpu.memref_slice %arg4[%mul3A_2] : memref<2048xi32, #tpu.memory_space<hbm>> -> memref<64xi32, #tpu.memory_space<hbm>>
      tpu.enqueue_dma source(%dma_start3A_50 : memref<64xi32, #tpu.memory_space<hbm>>) target(%arg8 : memref<64xi32, #tpu.memory_space<vmem>>) target_semaphore(%run_scoped3A : memref<!tpu.dma_semaphore, #tpu.memory_space<semaphore_mem>>)
      %dma_wait3A_51 = tpu.memref_slice %arg4[%mul3A_2] : memref<2048xi32, #tpu.memory_space<hbm>> -> memref<64xi32, #tpu.memory_space<hbm>>
      %dma_wait3A_52 = tpu.memref_slice %arg4[%mul3A_2] : memref<2048xi32, #tpu.memory_space<hbm>> -> memref<64xi32, #tpu.memory_space<hbm>>
      tpu.wait_dma2 semaphore(%run_scoped3A : memref<!tpu.dma_semaphore, #tpu.memory_space<semaphore_mem>>) src(%dma_wait3A_52 : memref<64xi32, #tpu.memory_space<hbm>>) dst(%arg8 : memref<64xi32, #tpu.memory_space<vmem>>)
      tpu.yield
    }) : () -> ()
    %dma_start3A = arith.constant 0 : i32
    %dma_start3A_3 = tpu.memref_slice %arg7[%dma_start3A] : memref<64xi32, #tpu.memory_space<vmem>> -> memref<32xi32, #tpu.memory_space<vmem>>
    %dma_start3A_4 = arith.constant 0 : i32
    %dma_start3A_5 = arith.constant 0 : i32
    %dma_start3A_6 = tpu.memref_slice %arg2[%dma_start3A_4, %dma_start3A_5] : memref<11776x1024xf32, #tpu.memory_space<hbm>> -> memref<11776x1024xf32, #tpu.memory_space<hbm>>
    tpu.enqueue_indirect_dma source(%dma_start3A_6 : memref<11776x1024xf32, #tpu.memory_space<hbm>>) target(%arg9 : memref<32x1024xf32, #tpu.memory_space<vmem>>) offsets(%dma_start3A_3 : memref<32xi32, #tpu.memory_space<vmem>>) semaphore(%arg11 : memref<!tpu.dma_semaphore, #tpu.memory_space<semaphore_mem>>)
    %dma_start3A_7 = arith.constant 0 : i32
    %dma_start3A_8 = tpu.memref_slice %arg8[%dma_start3A_7] : memref<64xi32, #tpu.memory_space<vmem>> -> memref<32xi32, #tpu.memory_space<vmem>>
    %dma_start3A_9 = arith.constant 0 : i32
    %dma_start3A_10 = arith.constant 0 : i32
    %dma_start3A_11 = tpu.memref_slice %arg2[%dma_start3A_9, %dma_start3A_10] : memref<11776x1024xf32, #tpu.memory_space<hbm>> -> memref<11776x1024xf32, #tpu.memory_space<hbm>>
    tpu.enqueue_indirect_dma source(%dma_start3A_11 : memref<11776x1024xf32, #tpu.memory_space<hbm>>) target(%arg10 : memref<32x1024xf32, #tpu.memory_space<vmem>>) offsets(%dma_start3A_8 : memref<32xi32, #tpu.memory_space<vmem>>) semaphore(%arg11 : memref<!tpu.dma_semaphore, #tpu.memory_space<semaphore_mem>>)
    %dma_wait3A = arith.constant 0 : i32
    %dma_wait3A_12 = tpu.memref_slice %arg7[%dma_wait3A] : memref<64xi32, #tpu.memory_space<vmem>> -> memref<32xi32, #tpu.memory_space<vmem>>
    %dma_wait3A_13 = arith.constant 0 : i32
    %dma_wait3A_14 = arith.constant 0 : i32
    %dma_wait3A_15 = tpu.memref_slice %arg2[%dma_wait3A_13, %dma_wait3A_14] : memref<11776x1024xf32, #tpu.memory_space<hbm>> -> memref<11776x1024xf32, #tpu.memory_space<hbm>>
    tpu.wait_indirect_dma semaphore(%arg11 : memref<!tpu.dma_semaphore, #tpu.memory_space<semaphore_mem>>) src(%dma_wait3A_15 : memref<11776x1024xf32, #tpu.memory_space<hbm>>) dst(%arg9 : memref<32x1024xf32, #tpu.memory_space<vmem>>)
    %dma_wait3A_16 = arith.constant 0 : i32
    %dma_wait3A_17 = tpu.memref_slice %arg8[%dma_wait3A_16] : memref<64xi32, #tpu.memory_space<vmem>> -> memref<32xi32, #tpu.memory_space<vmem>>
    %dma_wait3A_18 = arith.constant 0 : i32
    %dma_wait3A_19 = arith.constant 0 : i32
    %dma_wait3A_20 = tpu.memref_slice %arg2[%dma_wait3A_18, %dma_wait3A_19] : memref<11776x1024xf32, #tpu.memory_space<hbm>> -> memref<11776x1024xf32, #tpu.memory_space<hbm>>
    tpu.wait_indirect_dma semaphore(%arg11 : memref<!tpu.dma_semaphore, #tpu.memory_space<semaphore_mem>>) src(%dma_wait3A_20 : memref<11776x1024xf32, #tpu.memory_space<hbm>>) dst(%arg10 : memref<32x1024xf32, #tpu.memory_space<vmem>>)
    %add3A_21 = arith.constant 0 : i32
    %add3A_22 = arith.addi %mul3A_2, %add3A_21 : i32
    "tpu.region"() ({
      %run_scoped3A = tpu.sem_alloc : memref<!tpu.dma_semaphore, #tpu.memory_space<semaphore_mem>>
      %dma_start3A_49 = arith.constant 0 : i32
      %dma_start3A_50 = tpu.memref_slice %arg5[%add3A_22, %dma_start3A_49] : memref<2048x1024xf32, #tpu.memory_space<hbm>> -> memref<32x1024xf32, #tpu.memory_space<hbm>>
      %dma_start3A_51 = arith.constant 0 : i32
      %dma_start3A_52 = tpu.memref_slice %arg5[%add3A_22, %dma_start3A_51] : memref<2048x1024xf32, #tpu.memory_space<hbm>> -> memref<32x1024xf32, #tpu.memory_space<hbm>>
      tpu.enqueue_dma source(%arg9 : memref<32x1024xf32, #tpu.memory_space<vmem>>) target(%dma_start3A_52 : memref<32x1024xf32, #tpu.memory_space<hbm>>) target_semaphore(%run_scoped3A : memref<!tpu.dma_semaphore, #tpu.memory_space<semaphore_mem>>)
      %dma_wait3A_53 = arith.constant 0 : i32
      %dma_wait3A_54 = tpu.memref_slice %arg5[%add3A_22, %dma_wait3A_53] : memref<2048x1024xf32, #tpu.memory_space<hbm>> -> memref<32x1024xf32, #tpu.memory_space<hbm>>
      %dma_wait3A_55 = arith.constant 0 : i32
      %dma_wait3A_56 = tpu.memref_slice %arg5[%add3A_22, %dma_wait3A_55] : memref<2048x1024xf32, #tpu.memory_space<hbm>> -> memref<32x1024xf32, #tpu.memory_space<hbm>>
      tpu.wait_dma2 semaphore(%run_scoped3A : memref<!tpu.dma_semaphore, #tpu.memory_space<semaphore_mem>>) src(%arg9 : memref<32x1024xf32, #tpu.memory_space<vmem>>) dst(%dma_wait3A_56 : memref<32x1024xf32, #tpu.memory_space<hbm>>)
      tpu.yield
    }) : () -> ()
    %add3A_23 = arith.constant 0 : i32
    %add3A_24 = arith.addi %mul3A_2, %add3A_23 : i32
    "tpu.region"() ({
      %run_scoped3A = tpu.sem_alloc : memref<!tpu.dma_semaphore, #tpu.memory_space<semaphore_mem>>
      %dma_start3A_49 = arith.constant 0 : i32
      %dma_start3A_50 = tpu.memref_slice %arg6[%add3A_24, %dma_start3A_49] : memref<2048x1024xf32, #tpu.memory_space<hbm>> -> memref<32x1024xf32, #tpu.memory_space<hbm>>
      %dma_start3A_51 = arith.constant 0 : i32
      %dma_start3A_52 = tpu.memref_slice %arg6[%add3A_24, %dma_start3A_51] : memref<2048x1024xf32, #tpu.memory_space<hbm>> -> memref<32x1024xf32, #tpu.memory_space<hbm>>
      tpu.enqueue_dma source(%arg10 : memref<32x1024xf32, #tpu.memory_space<vmem>>) target(%dma_start3A_52 : memref<32x1024xf32, #tpu.memory_space<hbm>>) target_semaphore(%run_scoped3A : memref<!tpu.dma_semaphore, #tpu.memory_space<semaphore_mem>>)
      %dma_wait3A_53 = arith.constant 0 : i32
      %dma_wait3A_54 = tpu.memref_slice %arg6[%add3A_24, %dma_wait3A_53] : memref<2048x1024xf32, #tpu.memory_space<hbm>> -> memref<32x1024xf32, #tpu.memory_space<hbm>>
      %dma_wait3A_55 = arith.constant 0 : i32
      %dma_wait3A_56 = tpu.memref_slice %arg6[%add3A_24, %dma_wait3A_55] : memref<2048x1024xf32, #tpu.memory_space<hbm>> -> memref<32x1024xf32, #tpu.memory_space<hbm>>
      tpu.wait_dma2 semaphore(%run_scoped3A : memref<!tpu.dma_semaphore, #tpu.memory_space<semaphore_mem>>) src(%arg10 : memref<32x1024xf32, #tpu.memory_space<vmem>>) dst(%dma_wait3A_56 : memref<32x1024xf32, #tpu.memory_space<hbm>>)
      tpu.yield
    }) : () -> ()
    %dma_start3A_25 = arith.constant 32 : i32
    %dma_start3A_26 = tpu.memref_slice %arg7[%dma_start3A_25] : memref<64xi32, #tpu.memory_space<vmem>> -> memref<32xi32, #tpu.memory_space<vmem>>
    %dma_start3A_27 = arith.constant 0 : i32
    %dma_start3A_28 = arith.constant 0 : i32
    %dma_start3A_29 = tpu.memref_slice %arg2[%dma_start3A_27, %dma_start3A_28] : memref<11776x1024xf32, #tpu.memory_space<hbm>> -> memref<11776x1024xf32, #tpu.memory_space<hbm>>
    tpu.enqueue_indirect_dma source(%dma_start3A_29 : memref<11776x1024xf32, #tpu.memory_space<hbm>>) target(%arg9 : memref<32x1024xf32, #tpu.memory_space<vmem>>) offsets(%dma_start3A_26 : memref<32xi32, #tpu.memory_space<vmem>>) semaphore(%arg11 : memref<!tpu.dma_semaphore, #tpu.memory_space<semaphore_mem>>)
    %dma_start3A_30 = arith.constant 32 : i32
    %dma_start3A_31 = tpu.memref_slice %arg8[%dma_start3A_30] : memref<64xi32, #tpu.memory_space<vmem>> -> memref<32xi32, #tpu.memory_space<vmem>>
    %dma_start3A_32 = arith.constant 0 : i32
    %dma_start3A_33 = arith.constant 0 : i32
    %dma_start3A_34 = tpu.memref_slice %arg2[%dma_start3A_32, %dma_start3A_33] : memref<11776x1024xf32, #tpu.memory_space<hbm>> -> memref<11776x1024xf32, #tpu.memory_space<hbm>>
    tpu.enqueue_indirect_dma source(%dma_start3A_34 : memref<11776x1024xf32, #tpu.memory_space<hbm>>) target(%arg10 : memref<32x1024xf32, #tpu.memory_space<vmem>>) offsets(%dma_start3A_31 : memref<32xi32, #tpu.memory_space<vmem>>) semaphore(%arg11 : memref<!tpu.dma_semaphore, #tpu.memory_space<semaphore_mem>>)
    %dma_wait3A_35 = arith.constant 32 : i32
    %dma_wait3A_36 = tpu.memref_slice %arg7[%dma_wait3A_35] : memref<64xi32, #tpu.memory_space<vmem>> -> memref<32xi32, #tpu.memory_space<vmem>>
    %dma_wait3A_37 = arith.constant 0 : i32
    %dma_wait3A_38 = arith.constant 0 : i32
    %dma_wait3A_39 = tpu.memref_slice %arg2[%dma_wait3A_37, %dma_wait3A_38] : memref<11776x1024xf32, #tpu.memory_space<hbm>> -> memref<11776x1024xf32, #tpu.memory_space<hbm>>
    tpu.wait_indirect_dma semaphore(%arg11 : memref<!tpu.dma_semaphore, #tpu.memory_space<semaphore_mem>>) src(%dma_wait3A_39 : memref<11776x1024xf32, #tpu.memory_space<hbm>>) dst(%arg9 : memref<32x1024xf32, #tpu.memory_space<vmem>>)
    %dma_wait3A_40 = arith.constant 32 : i32
    %dma_wait3A_41 = tpu.memref_slice %arg8[%dma_wait3A_40] : memref<64xi32, #tpu.memory_space<vmem>> -> memref<32xi32, #tpu.memory_space<vmem>>
    %dma_wait3A_42 = arith.constant 0 : i32
    %dma_wait3A_43 = arith.constant 0 : i32
    %dma_wait3A_44 = tpu.memref_slice %arg2[%dma_wait3A_42, %dma_wait3A_43] : memref<11776x1024xf32, #tpu.memory_space<hbm>> -> memref<11776x1024xf32, #tpu.memory_space<hbm>>
    tpu.wait_indirect_dma semaphore(%arg11 : memref<!tpu.dma_semaphore, #tpu.memory_space<semaphore_mem>>) src(%dma_wait3A_44 : memref<11776x1024xf32, #tpu.memory_space<hbm>>) dst(%arg10 : memref<32x1024xf32, #tpu.memory_space<vmem>>)
    %add3A_45 = arith.constant 32 : i32
    %add3A_46 = arith.addi %mul3A_2, %add3A_45 : i32
    "tpu.region"() ({
      %run_scoped3A = tpu.sem_alloc : memref<!tpu.dma_semaphore, #tpu.memory_space<semaphore_mem>>
      %dma_start3A_49 = arith.constant 0 : i32
      %dma_start3A_50 = tpu.memref_slice %arg5[%add3A_46, %dma_start3A_49] : memref<2048x1024xf32, #tpu.memory_space<hbm>> -> memref<32x1024xf32, #tpu.memory_space<hbm>>
      %dma_start3A_51 = arith.constant 0 : i32
      %dma_start3A_52 = tpu.memref_slice %arg5[%add3A_46, %dma_start3A_51] : memref<2048x1024xf32, #tpu.memory_space<hbm>> -> memref<32x1024xf32, #tpu.memory_space<hbm>>
      tpu.enqueue_dma source(%arg9 : memref<32x1024xf32, #tpu.memory_space<vmem>>) target(%dma_start3A_52 : memref<32x1024xf32, #tpu.memory_space<hbm>>) target_semaphore(%run_scoped3A : memref<!tpu.dma_semaphore, #tpu.memory_space<semaphore_mem>>)
      %dma_wait3A_53 = arith.constant 0 : i32
      %dma_wait3A_54 = tpu.memref_slice %arg5[%add3A_46, %dma_wait3A_53] : memref<2048x1024xf32, #tpu.memory_space<hbm>> -> memref<32x1024xf32, #tpu.memory_space<hbm>>
      %dma_wait3A_55 = arith.constant 0 : i32
      %dma_wait3A_56 = tpu.memref_slice %arg5[%add3A_46, %dma_wait3A_55] : memref<2048x1024xf32, #tpu.memory_space<hbm>> -> memref<32x1024xf32, #tpu.memory_space<hbm>>
      tpu.wait_dma2 semaphore(%run_scoped3A : memref<!tpu.dma_semaphore, #tpu.memory_space<semaphore_mem>>) src(%arg9 : memref<32x1024xf32, #tpu.memory_space<vmem>>) dst(%dma_wait3A_56 : memref<32x1024xf32, #tpu.memory_space<hbm>>)
      tpu.yield
    }) : () -> ()
    %add3A_47 = arith.constant 32 : i32
    %add3A_48 = arith.addi %mul3A_2, %add3A_47 : i32
    "tpu.region"() ({
      %run_scoped3A = tpu.sem_alloc : memref<!tpu.dma_semaphore, #tpu.memory_space<semaphore_mem>>
      %dma_start3A_49 = arith.constant 0 : i32
      %dma_start3A_50 = tpu.memref_slice %arg6[%add3A_48, %dma_start3A_49] : memref<2048x1024xf32, #tpu.memory_space<hbm>> -> memref<32x1024xf32, #tpu.memory_space<hbm>>
      %dma_start3A_51 = arith.constant 0 : i32
      %dma_start3A_52 = tpu.memref_slice %arg6[%add3A_48, %dma_start3A_51] : memref<2048x1024xf32, #tpu.memory_space<hbm>> -> memref<32x1024xf32, #tpu.memory_space<hbm>>
      tpu.enqueue_dma source(%arg10 : memref<32x1024xf32, #tpu.memory_space<vmem>>) target(%dma_start3A_52 : memref<32x1024xf32, #tpu.memory_space<hbm>>) target_semaphore(%run_scoped3A : memref<!tpu.dma_semaphore, #tpu.memory_space<semaphore_mem>>)
      %dma_wait3A_53 = arith.constant 0 : i32
      %dma_wait3A_54 = tpu.memref_slice %arg6[%add3A_48, %dma_wait3A_53] : memref<2048x1024xf32, #tpu.memory_space<hbm>> -> memref<32x1024xf32, #tpu.memory_space<hbm>>
      %dma_wait3A_55 = arith.constant 0 : i32
      %dma_wait3A_56 = tpu.memref_slice %arg6[%add3A_48, %dma_wait3A_55] : memref<2048x1024xf32, #tpu.memory_space<hbm>> -> memref<32x1024xf32, #tpu.memory_space<hbm>>
      tpu.wait_dma2 semaphore(%run_scoped3A : memref<!tpu.dma_semaphore, #tpu.memory_space<semaphore_mem>>) src(%arg10 : memref<32x1024xf32, #tpu.memory_space<vmem>>) dst(%dma_wait3A_56 : memref<32x1024xf32, #tpu.memory_space<hbm>>)
      tpu.yield
    }) : () -> ()
    return
  }
}

module attributes {stable_mosaic.version = 14 : i64} {
  func.func @_router_body(%arg0: memref<2048x1024xf32, #tpu.memory_space<vmem>>, %arg1: memref<128x1024xf32, #tpu.memory_space<vmem>>, %arg2: memref<1x128xf32, #tpu.memory_space<vmem>>, %arg3: memref<2048x1xf32, #tpu.memory_space<vmem>>, %arg4: memref<2048x1xf32, #tpu.memory_space<vmem>>, %arg5: memref<2048x1xi32, #tpu.memory_space<vmem>>, %arg6: memref<2048x1xi32, #tpu.memory_space<vmem>>, %arg7: memref<48x1xi32, #tpu.memory_space<vmem>>, %arg8: memref<48x1xi32, #tpu.memory_space<vmem>>) attributes {dimension_semantics = [], scalar_prefetch = 0 : i64, scratch_operands = 0 : i64, tpu.core_type = #tpu.core_type<tc>} {
    %get3A = arith.constant 0 : index
    %get3A_0 = arith.constant 0 : index
    %get3A_1 = vector.load %arg0[%get3A, %get3A_0] : memref<2048x1024xf32, #tpu.memory_space<vmem>>, vector<2048x1024xf32>
    %get3A_2 = arith.constant 0 : index
    %get3A_3 = arith.constant 0 : index
    %get3A_4 = vector.load %arg1[%get3A_2, %get3A_3] : memref<128x1024xf32, #tpu.memory_space<vmem>>, vector<128x1024xf32>
    %dot_general3A = arith.constant dense<0.000000e+00> : vector<2048x128xf32>
    %dot_general3A_5 = tpu.matmul %get3A_1, %get3A_4, %dot_general3A {dimension_numbers = #tpu.dot_dimension_numbers<[1], [1], [0], [0], [0, 0, 1, 0], [], []>, transpose_lhs_hint = false} : vector<2048x1024xf32>, vector<128x1024xf32>, vector<2048x128xf32> -> vector<2048x128xf32>
    %get3A_6 = arith.constant 0 : index
    %get3A_7 = arith.constant 0 : index
    %get3A_8 = vector.load %arg2[%get3A_6, %get3A_7] : memref<1x128xf32, #tpu.memory_space<vmem>>, vector<1x128xf32>
    %add3A = vector.broadcast %get3A_8 : vector<1x128xf32> to vector<2048x128xf32>
    %add3A_9 = arith.addf %dot_general3A_5, %add3A : vector<2048x128xf32>
    %logistic3A = arith.negf %add3A_9 : vector<2048x128xf32>
    %logistic3A_10 = math.exp %logistic3A : vector<2048x128xf32>
    %logistic3A_11 = arith.constant 1.000000e+00 : f32
    %logistic3A_12 = vector.broadcast %logistic3A_11 : f32 to vector<2048x128xf32>
    %logistic3A_13 = arith.addf %logistic3A_12, %logistic3A_10 : vector<2048x128xf32>
    %logistic3A_14 = arith.divf %logistic3A_12, %logistic3A_13 : vector<2048x128xf32>
    %iota3A = tpu.iota {dimensions = array<i32: 1>} : vector<2048x128xi32>
    %lt3A = arith.constant 15 : i32
    %lt3A_15 = vector.broadcast %lt3A : i32 to vector<2048x128xi32>
    %lt3A_16 = arith.cmpi slt, %iota3A, %lt3A_15 : vector<2048x128xi32>
    %jit3A = arith.constant -1.000000e+00 : f32
    %broadcast_in_dim3A = vector.broadcast %jit3A : f32 to vector<2048x128xf32>
    %select_n3A = arith.select %lt3A_16, %logistic3A_14, %broadcast_in_dim3A : vector<2048x128xi1>, vector<2048x128xf32>
    %reduce_max3A = arith.constant dense<0xFF800000> : vector<2048xf32>
    %reduce_max3A_17 = vector.multi_reduction <maximumf>, %select_n3A, %reduce_max3A [1] : vector<2048x128xf32> to vector<2048xf32>
    %broadcast_in_dim3A_18 = vector.shape_cast %reduce_max3A_17 : vector<2048xf32> to vector<2048x1xf32>
    %eq3A = vector.broadcast %broadcast_in_dim3A_18 : vector<2048x1xf32> to vector<2048x128xf32>
    %eq3A_19 = arith.cmpf oeq, %select_n3A, %eq3A : vector<2048x128xf32>
    %jit3A_20 = arith.constant 128 : i32
    %broadcast_in_dim3A_21 = vector.broadcast %jit3A_20 : i32 to vector<2048x128xi32>
    %select_n3A_22 = arith.select %eq3A_19, %iota3A, %broadcast_in_dim3A_21 : vector<2048x128xi1>, vector<2048x128xi32>
    %reduce_min3A = arith.constant dense<2147483647> : vector<2048xi32>
    %reduce_min3A_23 = vector.multi_reduction <minsi>, %select_n3A_22, %reduce_min3A [1] : vector<2048x128xi32> to vector<2048xi32>
    %broadcast_in_dim3A_24 = vector.shape_cast %reduce_min3A_23 : vector<2048xi32> to vector<2048x1xi32>
    %eq3A_25 = vector.broadcast %broadcast_in_dim3A_24 : vector<2048x1xi32> to vector<2048x128xi32>
    %eq3A_26 = arith.cmpi eq, %iota3A, %eq3A_25 : vector<2048x128xi32>
    %jit3A_27 = arith.constant -2.000000e+00 : f32
    %broadcast_in_dim3A_28 = vector.broadcast %jit3A_27 : f32 to vector<2048x128xf32>
    %select_n3A_29 = arith.select %eq3A_26, %broadcast_in_dim3A_28, %select_n3A : vector<2048x128xi1>, vector<2048x128xf32>
    %reduce_max3A_30 = arith.constant dense<0xFF800000> : vector<2048xf32>
    %reduce_max3A_31 = vector.multi_reduction <maximumf>, %select_n3A_29, %reduce_max3A_30 [1] : vector<2048x128xf32> to vector<2048xf32>
    %broadcast_in_dim3A_32 = vector.shape_cast %reduce_max3A_31 : vector<2048xf32> to vector<2048x1xf32>
    %eq3A_33 = vector.broadcast %broadcast_in_dim3A_32 : vector<2048x1xf32> to vector<2048x128xf32>
    %eq3A_34 = arith.cmpf oeq, %select_n3A_29, %eq3A_33 : vector<2048x128xf32>
    %jit3A_35 = arith.constant 128 : i32
    %broadcast_in_dim3A_36 = vector.broadcast %jit3A_35 : i32 to vector<2048x128xi32>
    %select_n3A_37 = arith.select %eq3A_34, %iota3A, %broadcast_in_dim3A_36 : vector<2048x128xi1>, vector<2048x128xi32>
    %reduce_min3A_38 = arith.constant dense<2147483647> : vector<2048xi32>
    %reduce_min3A_39 = vector.multi_reduction <minsi>, %select_n3A_37, %reduce_min3A_38 [1] : vector<2048x128xi32> to vector<2048xi32>
    %broadcast_in_dim3A_40 = vector.shape_cast %reduce_min3A_39 : vector<2048xi32> to vector<2048x1xi32>
    %eq3A_41 = vector.broadcast %broadcast_in_dim3A_40 : vector<2048x1xi32> to vector<2048x128xi32>
    %eq3A_42 = arith.cmpi eq, %iota3A, %eq3A_41 : vector<2048x128xi32>
    %add3A_43 = arith.addf %broadcast_in_dim3A_18, %broadcast_in_dim3A_32 : vector<2048x1xf32>
    %div3A = arith.divf %broadcast_in_dim3A_18, %add3A_43 : vector<2048x1xf32>
    %swap3A = arith.constant 0 : index
    %swap3A_44 = arith.constant 0 : index
    %swap3A_45 = vector.load %arg3[%swap3A, %swap3A_44] : memref<2048x1xf32, #tpu.memory_space<vmem>>, vector<2048x1xf32>
    tpu.vector_store %arg3[%swap3A, %swap3A_44], %div3A {strides = array<i32>} : memref<2048x1xf32, #tpu.memory_space<vmem>>, vector<2048x1xf32>,
    %div3A_46 = arith.divf %broadcast_in_dim3A_32, %add3A_43 : vector<2048x1xf32>
    %swap3A_47 = arith.constant 0 : index
    %swap3A_48 = arith.constant 0 : index
    %swap3A_49 = vector.load %arg4[%swap3A_47, %swap3A_48] : memref<2048x1xf32, #tpu.memory_space<vmem>>, vector<2048x1xf32>
    tpu.vector_store %arg4[%swap3A_47, %swap3A_48], %div3A_46 {strides = array<i32>} : memref<2048x1xf32, #tpu.memory_space<vmem>>, vector<2048x1xf32>,
    %or3A = arith.ori %eq3A_26, %eq3A_42 : vector<2048x128xi1>
    %convert_element_type3A = arith.extui %or3A : vector<2048x128xi1> to vector<2048x128xi32>
    %convert_element_type3A_50 = arith.sitofp %convert_element_type3A : vector<2048x128xi32> to vector<2048x128xf32>
    %iota3A_51 = tpu.iota {dimensions = array<i32: 0>} : vector<2048x2048xi32>
    %iota3A_52 = tpu.iota {dimensions = array<i32: 1>} : vector<2048x2048xi32>
    %lt3A_53 = arith.cmpi slt, %iota3A_52, %iota3A_51 : vector<2048x2048xi32>
    %convert_element_type3A_54 = arith.extui %lt3A_53 : vector<2048x2048xi1> to vector<2048x2048xi32>
    %convert_element_type3A_55 = arith.sitofp %convert_element_type3A_54 : vector<2048x2048xi32> to vector<2048x2048xf32>
    %dot_general3A_56 = arith.constant dense<0.000000e+00> : vector<2048x128xf32>
    %dot_general3A_57 = tpu.matmul %convert_element_type3A_55, %convert_element_type3A_50, %dot_general3A_56 {dimension_numbers = #tpu.dot_dimension_numbers<[1], [0], [0], [1], [0, 0, 1, 1], [], []>, transpose_lhs_hint = false} : vector<2048x2048xf32>, vector<2048x128xf32>, vector<2048x128xf32> -> vector<2048x128xf32>
    %reduce_sum3A = arith.constant dense<0.000000e+00> : vector<128xf32>
    %reduce_sum3A_58 = vector.multi_reduction <add>, %convert_element_type3A_50, %reduce_sum3A [0] : vector<2048x128xf32> to vector<128xf32>
    %broadcast_in_dim3A_59 = vector.shape_cast %reduce_sum3A_58 : vector<128xf32> to vector<1x128xf32>
    %add3A_60 = arith.constant 5.110000e+02 : f32
    %add3A_61 = vector.broadcast %add3A_60 : f32 to vector<1x128xf32>
    %add3A_62 = arith.addf %broadcast_in_dim3A_59, %add3A_61 : vector<1x128xf32>
    %mul3A = arith.constant 0.001953125 : f32
    %mul3A_63 = vector.broadcast %mul3A : f32 to vector<1x128xf32>
    %mul3A_64 = arith.mulf %add3A_62, %mul3A_63 : vector<1x128xf32>
    %floor3A = math.floor %mul3A_64 : vector<1x128xf32>
    %mul3A_65 = arith.constant 5.120000e+02 : f32
    %mul3A_66 = vector.broadcast %mul3A_65 : f32 to vector<1x128xf32>
    %mul3A_67 = arith.mulf %floor3A, %mul3A_66 : vector<1x128xf32>
    %iota3A_68 = tpu.iota {dimensions = array<i32: 0>} : vector<128x128xi32>
    %iota3A_69 = tpu.iota {dimensions = array<i32: 1>} : vector<128x128xi32>
    %lt3A_70 = arith.cmpi slt, %iota3A_68, %iota3A_69 : vector<128x128xi32>
    %convert_element_type3A_71 = arith.extui %lt3A_70 : vector<128x128xi1> to vector<128x128xi32>
    %convert_element_type3A_72 = arith.sitofp %convert_element_type3A_71 : vector<128x128xi32> to vector<128x128xf32>
    %dot_general3A_73 = arith.constant dense<0.000000e+00> : vector<1x128xf32>
    %dot_general3A_74 = tpu.matmul %mul3A_67, %convert_element_type3A_72, %dot_general3A_73 {dimension_numbers = #tpu.dot_dimension_numbers<[1], [0], [0], [1], [0, 0, 1, 1], [], []>, transpose_lhs_hint = false} : vector<1x128xf32>, vector<128x128xf32>, vector<1x128xf32> -> vector<1x128xf32>
    %add3A_75 = vector.broadcast %dot_general3A_74 : vector<1x128xf32> to vector<2048x128xf32>
    %add3A_76 = arith.addf %add3A_75, %dot_general3A_57 : vector<2048x128xf32>
    %jit3A_77 = arith.constant 0.000000e+00 : f32
    %broadcast_in_dim3A_78 = vector.broadcast %jit3A_77 : f32 to vector<2048x128xf32>
    %select_n3A_79 = arith.select %eq3A_26, %add3A_76, %broadcast_in_dim3A_78 : vector<2048x128xi1>, vector<2048x128xf32>
    %reduce_sum3A_80 = arith.constant dense<0.000000e+00> : vector<2048xf32>
    %reduce_sum3A_81 = vector.multi_reduction <add>, %select_n3A_79, %reduce_sum3A_80 [1] : vector<2048x128xf32> to vector<2048xf32>
    %broadcast_in_dim3A_82 = vector.shape_cast %reduce_sum3A_81 : vector<2048xf32> to vector<2048x1xf32>
    %convert_element_type3A_83 = arith.fptosi %broadcast_in_dim3A_82 : vector<2048x1xf32> to vector<2048x1xi32>
    %swap3A_84 = arith.constant 0 : index
    %swap3A_85 = arith.constant 0 : index
    %swap3A_86 = vector.load %arg5[%swap3A_84, %swap3A_85] : memref<2048x1xi32, #tpu.memory_space<vmem>>, vector<2048x1xi32>
    tpu.vector_store %arg5[%swap3A_84, %swap3A_85], %convert_element_type3A_83 {strides = array<i32>} : memref<2048x1xi32, #tpu.memory_space<vmem>>, vector<2048x1xi32>,
    %jit3A_87 = arith.constant 0.000000e+00 : f32
    %broadcast_in_dim3A_88 = vector.broadcast %jit3A_87 : f32 to vector<2048x128xf32>
    %select_n3A_89 = arith.select %eq3A_42, %add3A_76, %broadcast_in_dim3A_88 : vector<2048x128xi1>, vector<2048x128xf32>
    %reduce_sum3A_90 = arith.constant dense<0.000000e+00> : vector<2048xf32>
    %reduce_sum3A_91 = vector.multi_reduction <add>, %select_n3A_89, %reduce_sum3A_90 [1] : vector<2048x128xf32> to vector<2048xf32>
    %broadcast_in_dim3A_92 = vector.shape_cast %reduce_sum3A_91 : vector<2048xf32> to vector<2048x1xf32>
    %convert_element_type3A_93 = arith.fptosi %broadcast_in_dim3A_92 : vector<2048x1xf32> to vector<2048x1xi32>
    %swap3A_94 = arith.constant 0 : index
    %swap3A_95 = arith.constant 0 : index
    %swap3A_96 = vector.load %arg6[%swap3A_94, %swap3A_95] : memref<2048x1xi32, #tpu.memory_space<vmem>>, vector<2048x1xi32>
    tpu.vector_store %arg6[%swap3A_94, %swap3A_95], %convert_element_type3A_93 {strides = array<i32>} : memref<2048x1xi32, #tpu.memory_space<vmem>>, vector<2048x1xi32>,
    %iota3A_97 = tpu.iota {dimensions = array<i32: 0>} : vector<48x128xi32>
    %iota3A_98 = tpu.iota {dimensions = array<i32: 1>} : vector<48x128xi32>
    %mul3A_99 = arith.constant 512 : i32
    %mul3A_100 = vector.broadcast %mul3A_99 : i32 to vector<48x128xi32>
    %mul3A_101 = arith.muli %iota3A_97, %mul3A_100 : vector<48x128xi32>
    %convert_element_type3A_102 = arith.sitofp %mul3A_101 : vector<48x128xi32> to vector<48x128xf32>
    %le3A = vector.broadcast %dot_general3A_74 : vector<1x128xf32> to vector<48x128xf32>
    %le3A_103 = arith.cmpf ole, %le3A, %convert_element_type3A_102 : vector<48x128xf32>
    %lt3A_104 = arith.constant 15 : i32
    %lt3A_105 = vector.broadcast %lt3A_104 : i32 to vector<48x128xi32>
    %lt3A_106 = arith.cmpi slt, %iota3A_98, %lt3A_105 : vector<48x128xi32>
    %and3A = arith.andi %le3A_103, %lt3A_106 : vector<48x128xi1>
    %convert_element_type3A_107 = arith.extui %and3A : vector<48x128xi1> to vector<48x128xi32>
    %convert_element_type3A_108 = arith.sitofp %convert_element_type3A_107 : vector<48x128xi32> to vector<48x128xf32>
    %reduce_sum3A_109 = arith.constant dense<0.000000e+00> : vector<48xf32>
    %reduce_sum3A_110 = vector.multi_reduction <add>, %convert_element_type3A_108, %reduce_sum3A_109 [1] : vector<48x128xf32> to vector<48xf32>
    %broadcast_in_dim3A_111 = vector.shape_cast %reduce_sum3A_110 : vector<48xf32> to vector<48x1xf32>
    %sub3A = arith.constant 1.000000e+00 : f32
    %sub3A_112 = vector.broadcast %sub3A : f32 to vector<48x1xf32>
    %sub3A_113 = arith.subf %broadcast_in_dim3A_111, %sub3A_112 : vector<48x1xf32>
    %convert_element_type3A_114 = arith.fptosi %sub3A_113 : vector<48x1xf32> to vector<48x1xi32>
    %swap3A_115 = arith.constant 0 : index
    %swap3A_116 = arith.constant 0 : index
    %swap3A_117 = vector.load %arg7[%swap3A_115, %swap3A_116] : memref<48x1xi32, #tpu.memory_space<vmem>>, vector<48x1xi32>
    tpu.vector_store %arg7[%swap3A_115, %swap3A_116], %convert_element_type3A_114 {strides = array<i32>} : memref<48x1xi32, #tpu.memory_space<vmem>>, vector<48x1xi32>,
    %convert_element_type3A_118 = arith.fptosi %sub3A_113 : vector<48x1xf32> to vector<48x1xi32>
    %eq3A_119 = vector.broadcast %convert_element_type3A_118 : vector<48x1xi32> to vector<48x128xi32>
    %eq3A_120 = arith.cmpi eq, %iota3A_98, %eq3A_119 : vector<48x128xi32>
    %add3A_121 = arith.addf %dot_general3A_74, %broadcast_in_dim3A_59 : vector<1x128xf32>
    %jit3A_122 = arith.constant 0.000000e+00 : f32
    %broadcast_in_dim3A_123 = vector.shape_cast %add3A_121 : vector<1x128xf32> to vector<1x128xf32>
    %broadcast_in_dim3A_124 = vector.broadcast %broadcast_in_dim3A_123 : vector<1x128xf32> to vector<48x128xf32>
    %broadcast_in_dim3A_125 = vector.broadcast %jit3A_122 : f32 to vector<48x128xf32>
    %select_n3A_126 = arith.select %eq3A_120, %broadcast_in_dim3A_124, %broadcast_in_dim3A_125 : vector<48x128xi1>, vector<48x128xf32>
    %reduce_sum3A_127 = arith.constant dense<0.000000e+00> : vector<48xf32>
    %reduce_sum3A_128 = vector.multi_reduction <add>, %select_n3A_126, %reduce_sum3A_127 [1] : vector<48x128xf32> to vector<48xf32>
    %broadcast_in_dim3A_129 = vector.shape_cast %reduce_sum3A_128 : vector<48xf32> to vector<48x1xf32>
    %slice3A = vector.extract_strided_slice %convert_element_type3A_102 {offsets = [0, 0], sizes = [48, 1], strides = [1, 1]} : vector<48x128xf32> to vector<48x1xf32>
    %lt3A_130 = arith.cmpf olt, %slice3A, %broadcast_in_dim3A_129 : vector<48x1xf32>
    %convert_element_type3A_131 = arith.extui %lt3A_130 : vector<48x1xi1> to vector<48x1xi32>
    %swap3A_132 = arith.constant 0 : index
    %swap3A_133 = arith.constant 0 : index
    %swap3A_134 = vector.load %arg8[%swap3A_132, %swap3A_133] : memref<48x1xi32, #tpu.memory_space<vmem>>, vector<48x1xi32>
    tpu.vector_store %arg8[%swap3A_132, %swap3A_133], %convert_element_type3A_131 {strides = array<i32>} : memref<48x1xi32, #tpu.memory_space<vmem>>, vector<48x1xi32>,
    return
  }
}

module attributes {stable_mosaic.version = 14 : i64} {
  func.func @_gmm_body(%arg0: i32, %arg1: memref<48xi32, #tpu.memory_space<smem>>, %arg2: memref<48xi32, #tpu.memory_space<smem>>, %arg3: memref<512x1024xf32, #tpu.memory_space<vmem>>, %arg4: memref<1x512x1024xf32, #tpu.memory_space<vmem>>, %arg5: memref<1x512x1024xf32, #tpu.memory_space<vmem>>, %arg6: memref<1x1024x512xf32, #tpu.memory_space<vmem>>, %arg7: memref<512x1024xf32, #tpu.memory_space<vmem>>) attributes {dimension_semantics = [#tpu.dimension_semantics<arbitrary>], iteration_bounds = array<i64: 23>, scalar_prefetch = 2 : i64, scratch_operands = 0 : i64, tpu.core_type = #tpu.core_type<tc>, window_params = [{transform_indices = @transform_0, window_bounds = array<i64: 512, 1024>}, {transform_indices = @transform_1, window_bounds = array<i64: 1, 512, 1024>}, {transform_indices = @transform_2, window_bounds = array<i64: 1, 512, 1024>}, {transform_indices = @transform_3, window_bounds = array<i64: 1, 1024, 512>}, {transform_indices = @transform_4, window_bounds = array<i64: 512, 1024>}]} {
    %get3A = arith.index_cast %arg0 : i32 to index
    %get3A_0 = memref.load %arg2[%get3A] : memref<48xi32, #tpu.memory_space<smem>>
    %eq3A = arith.constant 1 : i32
    %eq3A_1 = arith.cmpi eq, %get3A_0, %eq3A : i32
    %convert_element_type3A = arith.extui %eq3A_1 : i1 to i32
    %cond3A = arith.constant 0 : i32
    %cond3A_2 = arith.cmpi ne, %convert_element_type3A, %cond3A : i32
    scf.if %cond3A_2 {
      %get3A_3 = arith.constant 0 : index
      %get3A_4 = arith.constant 0 : index
      %get3A_5 = vector.load %arg3[%get3A_3, %get3A_4] : memref<512x1024xf32, #tpu.memory_space<vmem>>, vector<512x1024xf32>
      %convert_element_type3A_6 = arith.truncf %get3A_5 : vector<512x1024xf32> to vector<512x1024xbf16>
      %get3A_7 = arith.constant 0 : index
      %get3A_8 = arith.constant 0 : index
      %get3A_9 = arith.constant 0 : index
      %get3A_10 = vector.load %arg4[%get3A_7, %get3A_8, %get3A_9] : memref<1x512x1024xf32, #tpu.memory_space<vmem>>, vector<1x512x1024xf32>
      %get3A_11 = vector.shape_cast %get3A_10 : vector<1x512x1024xf32> to vector<512x1024xf32>
      %convert_element_type3A_12 = arith.truncf %get3A_11 : vector<512x1024xf32> to vector<512x1024xbf16>
      %get3A_13 = arith.constant 0 : index
      %get3A_14 = arith.constant 0 : index
      %get3A_15 = arith.constant 0 : index
      %get3A_16 = vector.load %arg5[%get3A_13, %get3A_14, %get3A_15] : memref<1x512x1024xf32, #tpu.memory_space<vmem>>, vector<1x512x1024xf32>
      %get3A_17 = vector.shape_cast %get3A_16 : vector<1x512x1024xf32> to vector<512x1024xf32>
      %convert_element_type3A_18 = arith.truncf %get3A_17 : vector<512x1024xf32> to vector<512x1024xbf16>
      %get3A_19 = arith.constant 0 : index
      %get3A_20 = arith.constant 0 : index
      %get3A_21 = arith.constant 0 : index
      %get3A_22 = vector.load %arg6[%get3A_19, %get3A_20, %get3A_21] : memref<1x1024x512xf32, #tpu.memory_space<vmem>>, vector<1x1024x512xf32>
      %get3A_23 = vector.shape_cast %get3A_22 : vector<1x1024x512xf32> to vector<1024x512xf32>
      %convert_element_type3A_24 = arith.truncf %get3A_23 : vector<1024x512xf32> to vector<1024x512xbf16>
      %dot_general3A = arith.constant dense<0.000000e+00> : vector<512x512xf32>
      %dot_general3A_25 = tpu.matmul %convert_element_type3A_6, %convert_element_type3A_12, %dot_general3A {dimension_numbers = #tpu.dot_dimension_numbers<[1], [1], [0], [0], [0, 0, 1, 0], [], []>, transpose_lhs_hint = false} : vector<512x1024xbf16>, vector<512x1024xbf16>, vector<512x512xf32> -> vector<512x512xf32>
      %dot_general3A_26 = arith.constant dense<0.000000e+00> : vector<512x512xf32>
      %dot_general3A_27 = tpu.matmul %convert_element_type3A_6, %convert_element_type3A_18, %dot_general3A_26 {dimension_numbers = #tpu.dot_dimension_numbers<[1], [1], [0], [0], [0, 0, 1, 0], [], []>, transpose_lhs_hint = false} : vector<512x1024xbf16>, vector<512x1024xbf16>, vector<512x512xf32> -> vector<512x512xf32>
      %logistic3A = arith.negf %dot_general3A_25 : vector<512x512xf32>
      %logistic3A_28 = math.exp %logistic3A : vector<512x512xf32>
      %logistic3A_29 = arith.constant 1.000000e+00 : f32
      %logistic3A_30 = vector.broadcast %logistic3A_29 : f32 to vector<512x512xf32>
      %logistic3A_31 = arith.addf %logistic3A_30, %logistic3A_28 : vector<512x512xf32>
      %logistic3A_32 = arith.divf %logistic3A_30, %logistic3A_31 : vector<512x512xf32>
      %mul3A = arith.mulf %dot_general3A_25, %logistic3A_32 : vector<512x512xf32>
      %mul3A_33 = arith.mulf %mul3A, %dot_general3A_27 : vector<512x512xf32>
      %mul3A_34 = arith.constant 1.250000e-01 : f32
      %mul3A_35 = vector.broadcast %mul3A_34 : f32 to vector<512x512xf32>
      %mul3A_36 = arith.mulf %mul3A_33, %mul3A_35 : vector<512x512xf32>
      %convert_element_type3A_37 = arith.truncf %mul3A_36 : vector<512x512xf32> to vector<512x512xbf16>
      %dot_general3A_38 = arith.constant dense<0.000000e+00> : vector<512x1024xf32>
      %dot_general3A_39 = tpu.matmul %convert_element_type3A_37, %convert_element_type3A_24, %dot_general3A_38 {dimension_numbers = #tpu.dot_dimension_numbers<[1], [1], [0], [0], [0, 0, 1, 0], [], []>, transpose_lhs_hint = false} : vector<512x512xbf16>, vector<1024x512xbf16>, vector<512x1024xf32> -> vector<512x1024xf32>
      %swap3A = arith.constant 0 : index
      %swap3A_40 = arith.constant 0 : index
      %swap3A_41 = vector.load %arg7[%swap3A, %swap3A_40] : memref<512x1024xf32, #tpu.memory_space<vmem>>, vector<512x1024xf32>
      tpu.vector_store %arg7[%swap3A, %swap3A_40], %dot_general3A_39 {strides = array<i32>} : memref<512x1024xf32, #tpu.memory_space<vmem>>, vector<512x1024xf32>,
    } else {
    }
    return
  }
  func.func @transform_0(%arg0: i32, %arg1: memref<48xi32, #tpu.memory_space<smem>>, %arg2: memref<48xi32, #tpu.memory_space<smem>>) -> (i32, i32) {
    %c0_i32 = arith.constant 0 : i32
    %c0_i32_0 = arith.constant 0 : i32
    return %arg0, %c0_i32 : i32, i32
  }
  func.func @transform_1(%arg0: i32, %arg1: memref<48xi32, #tpu.memory_space<smem>>, %arg2: memref<48xi32, #tpu.memory_space<smem>>) -> (i32, i32, i32) {
    %get3A = arith.index_cast %arg0 : i32 to index
    %get3A_0 = memref.load %arg1[%get3A] : memref<48xi32, #tpu.memory_space<smem>>
    %c0_i32 = arith.constant 0 : i32
    %c0_i32_1 = arith.constant 0 : i32
    %c0_i32_2 = arith.constant 0 : i32
    return %get3A_0, %c0_i32, %c0_i32_1 : i32, i32, i32
  }
  func.func @transform_2(%arg0: i32, %arg1: memref<48xi32, #tpu.memory_space<smem>>, %arg2: memref<48xi32, #tpu.memory_space<smem>>) -> (i32, i32, i32) {
    %get3A = arith.index_cast %arg0 : i32 to index
    %get3A_0 = memref.load %arg1[%get3A] : memref<48xi32, #tpu.memory_space<smem>>
    %c0_i32 = arith.constant 0 : i32
    %c0_i32_1 = arith.constant 0 : i32
    %c0_i32_2 = arith.constant 0 : i32
    return %get3A_0, %c0_i32, %c0_i32_1 : i32, i32, i32
  }
  func.func @transform_3(%arg0: i32, %arg1: memref<48xi32, #tpu.memory_space<smem>>, %arg2: memref<48xi32, #tpu.memory_space<smem>>) -> (i32, i32, i32) {
    %get3A = arith.index_cast %arg0 : i32 to index
    %get3A_0 = memref.load %arg1[%get3A] : memref<48xi32, #tpu.memory_space<smem>>
    %c0_i32 = arith.constant 0 : i32
    %c0_i32_1 = arith.constant 0 : i32
    %c0_i32_2 = arith.constant 0 : i32
    return %get3A_0, %c0_i32, %c0_i32_1 : i32, i32, i32
  }
  func.func @transform_4(%arg0: i32, %arg1: memref<48xi32, #tpu.memory_space<smem>>, %arg2: memref<48xi32, #tpu.memory_space<smem>>) -> (i32, i32) {
    %c0_i32 = arith.constant 0 : i32
    %c0_i32_0 = arith.constant 0 : i32
    return %arg0, %c0_i32 : i32, i32
  }
}

module attributes {stable_mosaic.version = 14 : i64} {
  func.func @_shared_body(%arg0: i32, %arg1: memref<1024x1024xf32, #tpu.memory_space<vmem>>, %arg2: memref<512x1024xf32, #tpu.memory_space<vmem>>, %arg3: memref<512x1024xf32, #tpu.memory_space<vmem>>, %arg4: memref<1024x512xf32, #tpu.memory_space<vmem>>, %arg5: memref<1024x1024xf32, #tpu.memory_space<vmem>>) attributes {dimension_semantics = [#tpu.dimension_semantics<arbitrary>], iteration_bounds = array<i64: 2>, scalar_prefetch = 0 : i64, scratch_operands = 0 : i64, tpu.core_type = #tpu.core_type<tc>, window_params = [{transform_indices = @transform_0, window_bounds = array<i64: 1024, 1024>}, {pipeline_mode = #tpu.pipeline_mode<synchronous>, transform_indices = @transform_1, window_bounds = array<i64: 512, 1024>}, {pipeline_mode = #tpu.pipeline_mode<synchronous>, transform_indices = @transform_2, window_bounds = array<i64: 512, 1024>}, {pipeline_mode = #tpu.pipeline_mode<synchronous>, transform_indices = @transform_3, window_bounds = array<i64: 1024, 512>}, {transform_indices = @transform_4, window_bounds = array<i64: 1024, 1024>}]} {
    %get3A = arith.constant 0 : index
    %get3A_0 = arith.constant 0 : index
    %get3A_1 = vector.load %arg1[%get3A, %get3A_0] : memref<1024x1024xf32, #tpu.memory_space<vmem>>, vector<1024x1024xf32>
    %convert_element_type3A = arith.truncf %get3A_1 : vector<1024x1024xf32> to vector<1024x1024xbf16>
    %get3A_2 = arith.constant 0 : index
    %get3A_3 = arith.constant 0 : index
    %get3A_4 = vector.load %arg2[%get3A_2, %get3A_3] : memref<512x1024xf32, #tpu.memory_space<vmem>>, vector<512x1024xf32>
    %convert_element_type3A_5 = arith.truncf %get3A_4 : vector<512x1024xf32> to vector<512x1024xbf16>
    %get3A_6 = arith.constant 0 : index
    %get3A_7 = arith.constant 0 : index
    %get3A_8 = vector.load %arg3[%get3A_6, %get3A_7] : memref<512x1024xf32, #tpu.memory_space<vmem>>, vector<512x1024xf32>
    %convert_element_type3A_9 = arith.truncf %get3A_8 : vector<512x1024xf32> to vector<512x1024xbf16>
    %get3A_10 = arith.constant 0 : index
    %get3A_11 = arith.constant 0 : index
    %get3A_12 = vector.load %arg4[%get3A_10, %get3A_11] : memref<1024x512xf32, #tpu.memory_space<vmem>>, vector<1024x512xf32>
    %convert_element_type3A_13 = arith.truncf %get3A_12 : vector<1024x512xf32> to vector<1024x512xbf16>
    %dot_general3A = arith.constant dense<0.000000e+00> : vector<1024x512xf32>
    %dot_general3A_14 = tpu.matmul %convert_element_type3A, %convert_element_type3A_5, %dot_general3A {dimension_numbers = #tpu.dot_dimension_numbers<[1], [1], [0], [0], [0, 0, 1, 0], [], []>, transpose_lhs_hint = false} : vector<1024x1024xbf16>, vector<512x1024xbf16>, vector<1024x512xf32> -> vector<1024x512xf32>
    %dot_general3A_15 = arith.constant dense<0.000000e+00> : vector<1024x512xf32>
    %dot_general3A_16 = tpu.matmul %convert_element_type3A, %convert_element_type3A_9, %dot_general3A_15 {dimension_numbers = #tpu.dot_dimension_numbers<[1], [1], [0], [0], [0, 0, 1, 0], [], []>, transpose_lhs_hint = false} : vector<1024x1024xbf16>, vector<512x1024xbf16>, vector<1024x512xf32> -> vector<1024x512xf32>
    %logistic3A = arith.negf %dot_general3A_14 : vector<1024x512xf32>
    %logistic3A_17 = math.exp %logistic3A : vector<1024x512xf32>
    %logistic3A_18 = arith.constant 1.000000e+00 : f32
    %logistic3A_19 = vector.broadcast %logistic3A_18 : f32 to vector<1024x512xf32>
    %logistic3A_20 = arith.addf %logistic3A_19, %logistic3A_17 : vector<1024x512xf32>
    %logistic3A_21 = arith.divf %logistic3A_19, %logistic3A_20 : vector<1024x512xf32>
    %mul3A = arith.mulf %dot_general3A_14, %logistic3A_21 : vector<1024x512xf32>
    %mul3A_22 = arith.mulf %mul3A, %dot_general3A_16 : vector<1024x512xf32>
    %mul3A_23 = arith.constant 1.250000e-01 : f32
    %mul3A_24 = vector.broadcast %mul3A_23 : f32 to vector<1024x512xf32>
    %mul3A_25 = arith.mulf %mul3A_22, %mul3A_24 : vector<1024x512xf32>
    %convert_element_type3A_26 = arith.truncf %mul3A_25 : vector<1024x512xf32> to vector<1024x512xbf16>
    %dot_general3A_27 = arith.constant dense<0.000000e+00> : vector<1024x1024xf32>
    %dot_general3A_28 = tpu.matmul %convert_element_type3A_26, %convert_element_type3A_13, %dot_general3A_27 {dimension_numbers = #tpu.dot_dimension_numbers<[1], [1], [0], [0], [0, 0, 1, 0], [], []>, transpose_lhs_hint = false} : vector<1024x512xbf16>, vector<1024x512xbf16>, vector<1024x1024xf32> -> vector<1024x1024xf32>
    %swap3A = arith.constant 0 : index
    %swap3A_29 = arith.constant 0 : index
    %swap3A_30 = vector.load %arg5[%swap3A, %swap3A_29] : memref<1024x1024xf32, #tpu.memory_space<vmem>>, vector<1024x1024xf32>
    tpu.vector_store %arg5[%swap3A, %swap3A_29], %dot_general3A_28 {strides = array<i32>} : memref<1024x1024xf32, #tpu.memory_space<vmem>>, vector<1024x1024xf32>,
    return
  }
  func.func @transform_0(%arg0: i32) -> (i32, i32) {
    %c0_i32 = arith.constant 0 : i32
    %c0_i32_0 = arith.constant 0 : i32
    return %arg0, %c0_i32 : i32, i32
  }
  func.func @transform_1(%arg0: i32) -> (i32, i32) {
    %c0_i32 = arith.constant 0 : i32
    %c0_i32_0 = arith.constant 0 : i32
    %c0_i32_1 = arith.constant 0 : i32
    return %c0_i32, %c0_i32_0 : i32, i32
  }
  func.func @transform_2(%arg0: i32) -> (i32, i32) {
    %c0_i32 = arith.constant 0 : i32
    %c0_i32_0 = arith.constant 0 : i32
    %c0_i32_1 = arith.constant 0 : i32
    return %c0_i32, %c0_i32_0 : i32, i32
  }
  func.func @transform_3(%arg0: i32) -> (i32, i32) {
    %c0_i32 = arith.constant 0 : i32
    %c0_i32_0 = arith.constant 0 : i32
    %c0_i32_1 = arith.constant 0 : i32
    return %c0_i32, %c0_i32_0 : i32, i32
  }
  func.func @transform_4(%arg0: i32) -> (i32, i32) {
    %c0_i32 = arith.constant 0 : i32
    %c0_i32_0 = arith.constant 0 : i32
    return %arg0, %c0_i32 : i32, i32
  }
}

module attributes {stable_mosaic.version = 14 : i64} {
  func.func @_combine_body(%arg0: i32, %arg1: memref<1024x1024xf32, #tpu.memory_space<vmem>>, %arg2: memref<1024x1024xf32, #tpu.memory_space<vmem>>, %arg3: memref<1024x1024xf32, #tpu.memory_space<vmem>>, %arg4: memref<1024x1xf32, #tpu.memory_space<vmem>>, %arg5: memref<1024x1xf32, #tpu.memory_space<vmem>>, %arg6: memref<1024x1024xf32, #tpu.memory_space<vmem>>) attributes {dimension_semantics = [#tpu.dimension_semantics<arbitrary>], iteration_bounds = array<i64: 2>, scalar_prefetch = 0 : i64, scratch_operands = 0 : i64, tpu.core_type = #tpu.core_type<tc>, window_params = [{transform_indices = @transform_0, window_bounds = array<i64: 1024, 1024>}, {transform_indices = @transform_1, window_bounds = array<i64: 1024, 1024>}, {transform_indices = @transform_2, window_bounds = array<i64: 1024, 1024>}, {transform_indices = @transform_3, window_bounds = array<i64: 1024, 1>}, {transform_indices = @transform_4, window_bounds = array<i64: 1024, 1>}, {transform_indices = @transform_5, window_bounds = array<i64: 1024, 1024>}]} {
    %get3A = arith.constant 0 : index
    %get3A_0 = arith.constant 0 : index
    %get3A_1 = vector.load %arg1[%get3A, %get3A_0] : memref<1024x1024xf32, #tpu.memory_space<vmem>>, vector<1024x1024xf32>
    %get3A_2 = arith.constant 0 : index
    %get3A_3 = arith.constant 0 : index
    %get3A_4 = vector.load %arg4[%get3A_2, %get3A_3] : memref<1024x1xf32, #tpu.memory_space<vmem>>, vector<1024x1xf32>
    %get3A_5 = arith.constant 0 : index
    %get3A_6 = arith.constant 0 : index
    %get3A_7 = vector.load %arg2[%get3A_5, %get3A_6] : memref<1024x1024xf32, #tpu.memory_space<vmem>>, vector<1024x1024xf32>
    %mul3A = vector.broadcast %get3A_4 : vector<1024x1xf32> to vector<1024x1024xf32>
    %mul3A_8 = arith.mulf %mul3A, %get3A_7 : vector<1024x1024xf32>
    %add3A = arith.addf %get3A_1, %mul3A_8 : vector<1024x1024xf32>
    %get3A_9 = arith.constant 0 : index
    %get3A_10 = arith.constant 0 : index
    %get3A_11 = vector.load %arg5[%get3A_9, %get3A_10] : memref<1024x1xf32, #tpu.memory_space<vmem>>, vector<1024x1xf32>
    %get3A_12 = arith.constant 0 : index
    %get3A_13 = arith.constant 0 : index
    %get3A_14 = vector.load %arg3[%get3A_12, %get3A_13] : memref<1024x1024xf32, #tpu.memory_space<vmem>>, vector<1024x1024xf32>
    %mul3A_15 = vector.broadcast %get3A_11 : vector<1024x1xf32> to vector<1024x1024xf32>
    %mul3A_16 = arith.mulf %mul3A_15, %get3A_14 : vector<1024x1024xf32>
    %add3A_17 = arith.addf %add3A, %mul3A_16 : vector<1024x1024xf32>
    %swap3A = arith.constant 0 : index
    %swap3A_18 = arith.constant 0 : index
    %swap3A_19 = vector.load %arg6[%swap3A, %swap3A_18] : memref<1024x1024xf32, #tpu.memory_space<vmem>>, vector<1024x1024xf32>
    tpu.vector_store %arg6[%swap3A, %swap3A_18], %add3A_17 {strides = array<i32>} : memref<1024x1024xf32, #tpu.memory_space<vmem>>, vector<1024x1024xf32>,
    return
  }
  func.func @transform_0(%arg0: i32) -> (i32, i32) {
    %c0_i32 = arith.constant 0 : i32
    %c0_i32_0 = arith.constant 0 : i32
    return %arg0, %c0_i32 : i32, i32
  }
  func.func @transform_1(%arg0: i32) -> (i32, i32) {
    %c0_i32 = arith.constant 0 : i32
    %c0_i32_0 = arith.constant 0 : i32
    return %arg0, %c0_i32 : i32, i32
  }
  func.func @transform_2(%arg0: i32) -> (i32, i32) {
    %c0_i32 = arith.constant 0 : i32
    %c0_i32_0 = arith.constant 0 : i32
    return %arg0, %c0_i32 : i32, i32
  }
  func.func @transform_3(%arg0: i32) -> (i32, i32) {
    %c0_i32 = arith.constant 0 : i32
    %c0_i32_0 = arith.constant 0 : i32
    return %arg0, %c0_i32 : i32, i32
  }
  func.func @transform_4(%arg0: i32) -> (i32, i32) {
    %c0_i32 = arith.constant 0 : i32
    %c0_i32_0 = arith.constant 0 : i32
    return %arg0, %c0_i32 : i32, i32
  }
  func.func @transform_5(%arg0: i32) -> (i32, i32) {
    %c0_i32 = arith.constant 0 : i32
    %c0_i32_0 = arith.constant 0 : i32
    return %arg0, %c0_i32 : i32, i32
  }
}

</mosaic_0001>

<sc_bundles>
// kernel: kernel.11.cloned.1.call-start
scs
__scs_entry_jumppad:
0x0: {  	(pc) =	sbr.rel $0x88, $3  }
0x1: {  	(tag) =	ssettag $0x0;
	lr =	simm.s32 $0x1  }
0x2: {  	[smem:$0x3F98] =	sst lr;
	_ =	strace $0xD0000000  }
0x3: {  	_ = 	snop  }
0x4: {  	_ = 	snop  }
0x5: {  	_ = 	snop  }
0x6: {  	_ = 	snop  }
0x7: {  	_ = 	snop  }
__scs_overlays_trampoline_lowered:
0x8: {  	[smem:$0x3FA7] =	sst s0  }
0x9: {  	[smem:$0x3FA8] =	sst s1  }
0xa: {  	[smem:$0x3FA9] =	sst s2  }
0xb: {  	[smem:$0x3FAA] =	sst s3  }
0xc: {  	[smem:$0x3FAB] =	sst s4  }
0xd: {  	[smem:$0x3FAC] =	sst s5  }
0xe: {  	[smem:$0x3FAD] =	sst s6  }
0xf: {  	[smem:$0x3FAE] =	sst s7  }
0x10: {  	[smem:$0x3FAF] =	sst s8  }
0x11: {  	[smem:$0x3FB0] =	sst s9;
	s0 =	simm.s32 @!p0 $0x0  }
0x12: {  	s1 =	sld [smem:$0x3F96];
	s0 =	simm.s32 @p0 $0x1  }
0x13: {  	[smem:$0x3FB1] =	sst s0;
	s0 =	simm.s32 @!p1 $0x0  }
0x14: {  	s2 =	sld [smem:$0x3F95];
	s0 =	simm.s32 @p1 $0x1  }
0x15: {  	[smem:$0x3FB2] =	sst s0;
	s0 =	simm.s32 @!p2 $0x0  }
0x16: {  	s3 =	sld [smem:$0x3FDB];
	s0 =	simm.s32 @p2 $0x1  }
0x17: {  	s4 =	simm.s32 $0x1BF5;
	[smem:$0x3FB4] =	sst s0  }
0x18: {  	s0 =	sld [smem:$0x3F97];
	_ =	swait.ge [sflag:s4], $0x0  }
0x19: {  	s7 =	sld [smem:$0x3F98]  }
0x1a: {  	s8 =	sadd.s32 $0xFFFFE003, lr  }
0x1b: {  	s9 =	sadd.s32 $0xFFFFFEF7, lr;
	s5 =	simm.s32 $0xFFFFFFFF;
	p2 =	slt.u32 s8, $0xFFFFF086  }
0x1c: {  	p1 =	slt.u32 s9, $0xF7A;
	s5 =	simm.s32 @!p2 $0x0  }
0x1d: {  	s5 =	simm.s32 @p1 $0x1;
	p0 =	seq.s32 s7, s2  }
0x1e: {  	s7 =	smul.u32 @!p0 $0xF7A, s2;
	p2 =	seq.s32 @!p0 s5, $0x0  }
0x1f: {  	s9 =	smul.u32 $0xF7A, s1;
	s8 =	simm.s32 @!p0 $0x1BF5;
	p2 =	por !p2, p0  }
0x20: {  	[sflag:s8] =	ssyncset.s32 @!p0 $0xFFFFF086;
	s6 =	sadd.s32 @!p0 s3, s7;
	s7 =	simm.s32 @!p0 $0x108  }
0x21: {  	s3 =	sadd.s32 s3, s9;
	s6 =	sadd.s32 @!p0 $0x88, s6;
	s7 =	simm.s32 @p2 $0x1082  }
0x22: {  	[simem:s7], [sflag:s8] =	dma.local @!p0 [hbm:s6], $0xF7A  }
0x23: {  	s9 =	sor.u32 $0xD0000000, s2;
	s6 =	simm.s32 $0x108;
	_ =	swait.ge @!p0 [sflag:s8], $0x0  }
0x24: {  	s3 =	sadd.s32 $0x88, s3;
	s6 =	simm.s32 @!p1 $0x1082;
	[sflag:s4] =	ssyncset.s32 $0xFFFFF086  }
0x25: {  	[simem:s6], [sflag:s4] =	dma.local [hbm:s3], $0xF7A  }
0x26: {  	[smem:$0x3F98] =	sst s1;
	(tag) =	ssettag s2;
	_ =	strace s9  }
0x27: {  	s1 =	sld [smem:$0x3FA8]  }
0x28: {  	s2 =	sld [smem:$0x3FA9]  }
0x29: {  	s4 =	sld [smem:$0x3FAB]  }
0x2a: {  	p0 =	seq.s32 s5, $0x0;
	s5 =	sld [smem:$0x3FAC]  }
0x2b: {  	s6 =	sld [smem:$0x3FAD]  }
0x2c: {  	s7 =	sld [smem:$0x3FAE]  }
0x2d: {  	s3 =	simm.s32 $0x108;
	s8 =	sld [smem:$0x3FAF]  }
0x2e: {  	s3 =	simm.s32 @!p0 $0x1082;
	s9 =	sld [smem:$0x3FB0]  }
0x2f: {  	lr =	sadd.s32 s0, s3;
	s0 =	sld [smem:$0x3FA7]  }
0x30: {  	s3 =	sld [smem:$0x3FAA]  }
0x31: {  	[smem:$0x3FB3] =	sst s10  }
0x32: {  	s10 =	sld [smem:$0x3FB1];
	_ =	sdelay $0x3  }
0x33: {  	p0 =	seq.s32 s10, $0x1;
	s10 =	sld [smem:$0x3FB3];
	_ =	sdelay $0x3  }
0x34: {  	[smem:$0x3FB3] =	sst s10  }
0x35: {  	s10 =	sld [smem:$0x3FB2];
	_ =	sdelay $0x3  }
0x36: {  	p1 =	seq.s32 s10, $0x1;
	s10 =	sld [smem:$0x3FB3];
	_ =	sdelay $0x3  }
0x37: {  	[smem:$0x3FB3] =	sst s10  }
0x38: {  	s10 =	sld [smem:$0x3FB4]  }
0x39: {  	_ = 	snop;
	(pc) =	sbr.ind lr, $3  }
0x3a: {  	_ = 	snop  }
0x3b: {  	_ = 	snop  }
0x3c: {  	p2 =	seq.s32 s10, $0x1;
	s10 =	sld [smem:$0x3FB3]  }
0x3d: {  	_ =	shalt  }
0x3e: {  	_ =	shalt  }
0x3f: {  	_ =	shalt  }
0x40: {  	_ =	shalt  }
0x41: {  	_ =	shalt  }
0x42: {  	_ =	shalt  }
0x43: {  	_ =	shalt  }
0x44: {  	_ =	shalt  }
0x45: {  	_ =	shalt  }
0x46: {  	_ =	shalt  }
0x47: {  	_ =	shalt  }
0x48: {  	_ =	shalt  }
0x49: {  	_ =	shalt  }
0x4a: {  	_ =	shalt  }
0x4b: {  	_ =	shalt  }
0x4c: {  	_ =	shalt  }
0x4d: {  	_ =	shalt  }
0x4e: {  	_ =	shalt  }
0x4f: {  	_ =	shalt  }
0x50: {  	_ =	shalt  }
0x51: {  	_ =	shalt  }
0x52: {  	_ =	shalt  }
0x53: {  	_ =	shalt  }
0x54: {  	_ =	shalt  }
0x55: {  	_ =	shalt  }
0x56: {  	_ =	shalt  }
0x57: {  	_ =	shalt  }
0x58: {  	_ =	shalt  }
0x59: {  	_ =	shalt  }
0x5a: {  	_ =	shalt  }
0x5b: {  	_ =	shalt  }
0x5c: {  	_ =	shalt  }
0x5d: {  	_ =	shalt  }
0x5e: {  	_ =	shalt  }
0x5f: {  	_ =	shalt  }
0x60: {  	_ =	shalt  }
0x61: {  	_ =	shalt  }
0x62: {  	_ =	shalt  }
0x63: {  	_ =	shalt  }
0x64: {  	_ =	shalt  }
0x65: {  	_ =	shalt  }
0x66: {  	_ =	shalt  }
0x67: {  	_ =	shalt  }
0x68: {  	_ =	shalt  }
0x69: {  	_ =	shalt  }
0x6a: {  	_ =	shalt  }
0x6b: {  	_ =	shalt  }
0x6c: {  	_ =	shalt  }
0x6d: {  	_ =	shalt  }
0x6e: {  	_ =	shalt  }
0x6f: {  	_ =	shalt  }
0x70: {  	_ =	shalt  }
0x71: {  	_ =	shalt  }
0x72: {  	_ =	shalt  }
0x73: {  	_ =	shalt  }
0x74: {  	_ =	shalt  }
0x75: {  	_ =	shalt  }
0x76: {  	_ =	shalt  }
0x77: {  	_ =	shalt  }
0x78: {  	_ =	shalt  }
0x79: {  	_ =	shalt  }
0x7a: {  	_ =	shalt  }
0x7b: {  	_ =	shalt  }
0x7c: {  	_ =	shalt  }
0x7d: {  	_ =	shalt  }
0x7e: {  	_ =	shalt  }
0x7f: {  	_ =	shalt  }
0x80: {  	_ =	shalt  }
0x81: {  	_ =	shalt  }
0x82: {  	_ =	shalt  }
0x83: {  	_ =	shalt  }
0x84: {  	_ =	shalt  }
0x85: {  	_ =	shalt  }
0x86: {  	_ =	shalt  }
0x87: {  	_ =	shalt  }
.Lfunc_end0:
.L_simem_size_0:
called_computation.1_lowered:
.L_overlay_start_0:
0x88: {  	s2 =	sld [smem:$0x3FD9]  }
0x89: {  	s3 =	sld [smem:$0x3FFE];
	_ =	sdelay $0x1  }
0x8a: {  	s1 =	srdreg.scid  }
0x8b: {  	s0 =	sand.u32 $0x1, s1  }
0x8c: {  	s17 =	sshll.u32 s0, $0xA;
	s2 =	sadd.s32 s3, s2  }
0x8d: {  	s2 =	sadd.s32 s2, s17  }
0x8e: {  	[smem:$0x3FBF] =	sst s2  }
0x8f: {  	_ = 	snop  }
0x90: {  	s2 =	sld [smem:$0x3FD0];
	(tm) =	ssettm $0x1  }
0x91: {  	s18 =	sld [smem:$0x3FFB];
	_ =	sdelay $0x3  }
0x92: {  	_ =	strace s18  }
0x93: {  	s3 =	sld [smem:$0x3FFC];
	_ =	sdelay $0x3  }
0x94: {  	_ =	strace s3  }
0x95: {  	s3 =	sld [smem:$0x3FFD];
	_ =	sdelay $0x3  }
0x96: {  	_ =	strace s3  }
0x97: {  	_ =	strace $0x8FFFFFFF  }
0x98: {  	s19 =	sld [smem:$0x3FDB];
	_ =	sdelay $0x1  }
0x99: {  	s4 =	simm.s32 $_scs_section_size  }
0x9a: {  	s5 =	simm.s32 $_size__tile_overlayer_lowered;
	s6 =	simm.s32 $_tile_overlayer_lowered  }
0x9b: {  	s22 =	simm.s32 $0x1BFF;
	s21 =	sshll.u32 s6, $0x1;
	s3 =	sadd.s32 s4, s19  }
0x9c: {  	s7 =	simm.s32 $0x0;
	s20 =	sshll.u32 s5, $0x1;
	s5 =	sadd.s32 s21, s3  }
0x9d: {  	[timem:s7], [sflag:s22] =	dma.local [hbm:s5], s20  }
0x9e: {  	_ =	swait.ge [sflag:s22], s20  }
0x9f: {  	s4 =	ssub.s32 $0x0, s20;
	[sflag:s22] =	ssyncset.done $0x0  }
0xa0: {  	[sflag:s22] =	ssyncadd.s32 s4;
	_ =	sdelay $0x1  }
0xa1: {  	s23 =	simm.s32 $0x1B8B  }
0xa2: {  	_ =	swait.ge [sflag:s23], $0x1  }
0xa3: {  	[sflag:s23] =	ssyncset.done $0x0  }
0xa4: {  	s25 =	simm.s32 $0x1B8E;
	s24 =	sld [smem:$0x3FFE];
	[sflag:s23] =	ssyncadd.s32 $0xFFFFFFFF  }
0xa5: {  	s26 =	simm.s32 $execute0_lowered;
	[smem:$0x3FD2] =	sst s25  }
0xa6: {  	s5 =	sshll.u32 s26, $0x1;
	_ =	strace $0x80000049;
	[dreg:$0x1] =	wrdreg $0xFFFFFFFF  }
0xa7: {  	s28 =	simm.s32 $_size_execute0_lowered;
	s3 =	sadd.s32 s3, s5;
	[dreg:$0x0] =	wrdreg $0x0  }
0xa8: {  	s5 =	sshll.u32 s28, $0x1;
	[dreg:$0x2] =	wrdreg s3  }
0xa9: {  	[dreg:$0x3] =	wrdreg s5  }
0xaa: {  	[dreg:$0x4] =	wrdreg $0xC0  }
0xab: {  	_ =	task [dreg:s7], $0x5FFFF  }
0xac: {  	[dreg:$0x1] =	wrdreg $0xFFFFFFFF  }
0xad: {  	[dreg:$0x0] =	wrdreg $0x60  }
0xae: {  	[dreg:$0x2] =	wrdreg s24  }
0xaf: {  	[dreg:$0x3] =	wrdreg s2  }
0xb0: {  	[dreg:$0x4] =	wrdreg $0x9  }
0xb1: {  	_ =	task.clear_ibuf [dreg:s7], $0x5FFFF;
	_ =	strace $0x90000049  }
0xb2: {  	s29 =	simm.s32 $0x9;
	_ =	strace $0x8000004B  }
0xb3: {  	_ =	swait.ge [sflag:s29], $0x1  }
0xb4: {  	[sflag:s29] =	ssyncadd.s32 $0xFFFFFFFF  }
0xb5: {  	_ =	strace $0x9000004B  }
0xb6: {  	_ =	sfence  }
0xb7: {  	s30 =	sld [smem:$0x0];
	_ =	sdelay $0x2  }
0xb8: {  	s31 =	sshll.u32 s1, $0xD;
	s1 =	sshrl.u32 s1, $0x2  }
0xb9: {  	s3 =	sand.u32 $0x4000, s31;
	s1 =	sadd.s32 s1, s30  }
0xba: {  	s0 =	sor.u32 s3, s0;
	s1 =	sshll.u32 s1, $0x11  }
0xbb: {  	s0 =	sor.u32 s1, s0  }
0xbc: {  	s0 =	sadd.s32 $0x8F2B, s0  }
0xbd: {  	[sflag:s0] =	ssyncadd.remote.s32 $0x1  }
0xbe: {  	_ =	sfence.sel $0xFFFF  }
0xbf: {  	[dreg:$0x0] =	wrdreg $0xFFFFFFFF;
	(pc) =	sbr.abs _section_cstart, $3  }
0xc0: {  	[dreg:$0x1] =	wrdreg $0xFFFFFFFF  }
0xc1: {  	_ =	task.clear_ibuf [dreg:s7], $0x2FFFF;
	_ =	strace $0x9FFFFFFF  }
0xc2: {  	(tm) =	ssettm $0x7FFFFFFF  }
0xc3: {  	_ =	shalt  }
tec
execute0_lowered:
.L_overlay_start_1:
0x0: {  	(tag) =	ssettag $0x1  }
0x1: {  	s0 =	rddreg [dreg:$0x0]  }
0x2: {  	s1 =	rddreg [dreg:$0x1]  }
0x3: {  	s2 =	srdreg.scid;
	s3 =	stileid.u32;
	s26 =	simm.s32 $0x80  }
0x4: {  	s18 =	simm.s32 $0x1;
	s21 =	simm.s32 $0x1100;
	s28 =	simm.s32 $0x3900  }
0x5: {  	s29 =	simm.s32 $0x4100;
	s30 =	simm.s32 $0x4900;
	s31 =	simm.s32 $0x5100  }
0x6: {  	s10 =	simm.s32 $0x6900;
	s11 =	simm.s32 $0x7100;
	s12 =	simm.s32 $0x7900  }
0x7: {  	s13 =	simm.s32 $0x8900;
	s14 =	simm.s32 $0x9100;
	s15 =	simm.s32 $0x9900  }
0x8: {  	s16 =	simm.s32 $0xA100;
	s17 =	simm.s32 $0xA900;
	s4 =	sand.u32 $0x1, s2  }
0x9: {  	s2 =	simm.s32 $0x0;
	s3 =	sshll.u32 s3, $0x7;
	s7 =	sadd.s32 $0x10800, s0  }
0xa: {  	s5 =	sshll.u32 s4, $0x6;
	[smem:$0x7FF] =	sst s2;
	s4 =	ssub.s32 $0x2, s4  }
0xb: {  	s5 =	sor.u32 s5, s3;
	_ =	strace $0x8000004A;
	s3 =	sadd.s32 $0x180800, s0  }
0xc: {  	s8 =	sshrl.u32 s4, $0x1;
	[dreg:$0x9] =	wrdreg s26;
	s26 =	simm.s32 $0x3100  }
0xd: {  	s6 =	sshrl.u32 s5, $0x3;
	s5 =	sshll.u32 s5, $0x7;
	s8 =	ssub.s32 s4, s8  }
0xe: {  	s4 =	sadd.s32 $0x180900, s0;
	s6 =	sadd.s32 s6, s0;
	s22 =	sadd.s32 s1, s5  }
0xf: {  	s23 =	sadd.s32 s7, s5;
	s24 =	sor.u32 $0x1000, s5;
	s5 =	sadd.s32 $0x180A00, s0  }
0x10: {  	s9 =	sadd.s32 $0x10400, s6;
	s6 =	sadd.s32 $0x10600, s6;
	[dreg:$0x5] =	wrdreg s22  }
0x11: {  	[dreg:$0x6] =	wrdreg s23;
	s1 =	sadd.s32 s1, s24;
	s25 =	sadd.s32 s7, s24  }
0x12: {  	s7 =	smax.u32 s8, $0x1;
	s8 =	simm.s32 $0x2;
	[dreg:$0x3] =	wrdreg s9  }
0x13: {  	v2 =	vlaneseq.u32;
	s22 =	simm.s32 $0x1900;
	s23 =	simm.s32 $0x2100;
	[dreg:$0x4] =	wrdreg s6  }
0x14: {  	vm0 =	vmmov $0xffff;
	v1 =	vshrl.u32 v2, $0x3;
	s24 =	simm.s32 $0x2900;
	[dreg:$0x7] =	wrdreg s1;
	s6 =	sadd.s32 $0x180B00, s0  }
0x15: {  	v0 =	vand.u32 $0x7, v2;
	v2 =	vor.u32 $0x8, v2;
	v1 =	vmul.u32 $0x8, v1;
	[dreg:$0x8] =	wrdreg s25;
	s25 =	simm.s32 $0x100;
	s9 =	simm.s32 $0xB100  }
.LBB2_1:
0x16: {  	s19 =	rddreg [dreg:$0x3]  }
0x17: {  	[tilespmem:s2], [sflag:$0x2] =	stream.linear.gather [hbm4b:s19+s2], $0x40, $0x38;
	[tilespmem:$0x10100] =	vst v63  }
0x18: {  	_ =	swait.ge [sflag:s8], $0x40  }
0x19: {  	s1 =	rddreg [dreg:$0x4];
	[sflag:s8] =	ssyncset.done $0x0  }
0x1a: {  	s20 =	rddreg [dreg:$0x9];
	[sflag:s8] =	ssyncadd.s32 $0xFFFFFFC0  }
0x1b: {  	[tilespmem:s20], [sflag:$0x2] =	stream.linear.gather [hbm4b:s1+s2], $0x40, $0x38;
	[tilespmem:$0x10100] =	vst v63  }
0x1c: {  	_ =	swait.ge [sflag:s8], $0x40  }
0x1d: {  	[sflag:s8] =	ssyncset.done $0x0  }
0x1e: {  	[sflag:s8] =	ssyncadd.s32 $0xFFFFFFC0  }
0x1f: {  	v3 =	vld [tilespmem:$0x0];
	_ =	sdelay $0x4  }
0x20: {  	v4 =	vshll.u32 v3, $0x3  }
0x21: {  	v3 =	vand.u32 $0x7, v3;
	v4 =	vand.u32 $0xFFFFFFC0, v4  }
0x22: {  	v3 =	vor.u32 v3, v4  }
0x23: {  	v4 =	vperm.xlane v3, v0;
	_ =	sdelay $0x1  }
0x24: {  	v4 =	vadd.s32 v1, v4;
	_ =	sdelay $0x4  }
0x25: {  	[tilespmem:s25], [sflag:$0x1] =	stream.indirect_vreg.gather [hbm4b:s3+s2], $0x80, v4, vm0, $0xb8;
	[tilespmem:$0x10100] =	vst v63  }
0x26: {  	s20 =	simm.s32 $0x900;
	v3 =	vperm.xlane v3, v2  }
0x27: {  	[tilespmem:s20], [sflag:$0x1] =	stream.indirect_vreg.gather [hbm4b:s4+s2], $0x80, v4, vm0, $0xb8;
	[tilespmem:$0x10100] =	vst v63  }
0x28: {  	v3 =	vadd.s32 v1, v3  }
0x29: {  	[tilespmem:s21], [sflag:$0x1] =	stream.indirect_vreg.gather [hbm4b:s5+s2], $0x80, v4, vm0, $0xb8;
	[tilespmem:$0x10100] =	vst v63  }
0x2a: {  	_ = 	snop  }
0x2b: {  	[tilespmem:s22], [sflag:$0x1] =	stream.indirect_vreg.gather [hbm4b:s6+s2], $0x80, v4, vm0, $0xb8;
	[tilespmem:$0x10100] =	vst v63  }
0x2c: {  	_ = 	snop  }
0x2d: {  	[tilespmem:s23], [sflag:$0x1] =	stream.indirect_vreg.gather [hbm4b:s3+s2], $0x80, v3, vm0, $0xb8;
	[tilespmem:$0x10100] =	vst v63  }
0x2e: {  	_ = 	snop  }
0x2f: {  	[tilespmem:s24], [sflag:$0x1] =	stream.indirect_vreg.gather [hbm4b:s4+s2], $0x80, v3, vm0, $0xb8;
	[tilespmem:$0x10100] =	vst v63  }
0x30: {  	_ = 	snop  }
0x31: {  	[tilespmem:s26], [sflag:$0x1] =	stream.indirect_vreg.gather [hbm4b:s5+s2], $0x80, v3, vm0, $0xb8;
	[tilespmem:$0x10100] =	vst v63  }
0x32: {  	_ = 	snop  }
0x33: {  	[tilespmem:s28], [sflag:$0x1] =	stream.indirect_vreg.gather [hbm4b:s6+s2], $0x80, v3, vm0, $0xb8;
	[tilespmem:$0x10100] =	vst v63  }
0x34: {  	v3 =	vld [tilespmem:$0x10];
	_ =	sdelay $0x4  }
0x35: {  	v57 =	vshll.u32 v3, $0x3  }
0x36: {  	v3 =	vand.u32 $0x7, v3;
	v4 =	vand.u32 $0xFFFFFFC0, v57  }
0x37: {  	v3 =	vor.u32 v3, v4  }
0x38: {  	v4 =	vperm.xlane v3, v0;
	_ =	sdelay $0x1  }
0x39: {  	v4 =	vadd.s32 v1, v4;
	_ =	sdelay $0x4  }
0x3a: {  	[tilespmem:s29], [sflag:$0x1] =	stream.indirect_vreg.gather [hbm4b:s3+s2], $0x80, v4, vm0, $0xb8;
	[tilespmem:$0x10100] =	vst v63  }
0x3b: {  	v3 =	vperm.xlane v3, v2  }
0x3c: {  	[tilespmem:s30], [sflag:$0x1] =	stream.indirect_vreg.gather [hbm4b:s4+s2], $0x80, v4, vm0, $0xb8;
	[tilespmem:$0x10100] =	vst v63  }
0x3d: {  	v3 =	vadd.s32 v1, v3  }
0x3e: {  	[tilespmem:s31], [sflag:$0x1] =	stream.indirect_vreg.gather [hbm4b:s5+s2], $0x80, v4, vm0, $0xb8;
	[tilespmem:$0x10100] =	vst v63  }
0x3f: {  	s0 =	simm.s32 $0x5900  }
0x40: {  	[tilespmem:s0], [sflag:$0x1] =	stream.indirect_vreg.gather [hbm4b:s6+s2], $0x80, v4, vm0, $0xb8;
	[tilespmem:$0x10100] =	vst v63  }
0x41: {  	s1 =	simm.s32 $0x6100  }
0x42: {  	[tilespmem:s1], [sflag:$0x1] =	stream.indirect_vreg.gather [hbm4b:s3+s2], $0x80, v3, vm0, $0xb8;
	[tilespmem:$0x10100] =	vst v63  }
0x43: {  	_ = 	snop  }
0x44: {  	[tilespmem:s10], [sflag:$0x1] =	stream.indirect_vreg.gather [hbm4b:s4+s2], $0x80, v3, vm0, $0xb8;
	[tilespmem:$0x10100] =	vst v63  }
0x45: {  	_ = 	snop  }
0x46: {  	[tilespmem:s11], [sflag:$0x1] =	stream.indirect_vreg.gather [hbm4b:s5+s2], $0x80, v3, vm0, $0xb8;
	[tilespmem:$0x10100] =	vst v63  }
0x47: {  	_ = 	snop  }
0x48: {  	[tilespmem:s12], [sflag:$0x1] =	stream.indirect_vreg.gather [hbm4b:s6+s2], $0x80, v3, vm0, $0xb8;
	[tilespmem:$0x10100] =	vst v63  }
0x49: {  	v3 =	vld [tilespmem:$0x80];
	_ =	sdelay $0x4  }
0x4a: {  	v58 =	vshll.u32 v3, $0x3  }
0x4b: {  	v3 =	vand.u32 $0x7, v3;
	v4 =	vand.u32 $0xFFFFFFC0, v58  }
0x4c: {  	v3 =	vor.u32 v3, v4  }
0x4d: {  	v4 =	vperm.xlane v3, v0;
	_ =	sdelay $0x1  }
0x4e: {  	v4 =	vadd.s32 v1, v4;
	_ =	sdelay $0x3  }
0x4f: {  	s0 =	simm.s32 $0x8100  }
0x50: {  	[tilespmem:s0], [sflag:$0x1] =	stream.indirect_vreg.gather [hbm4b:s3+s2], $0x80, v4, vm0, $0xb8;
	[tilespmem:$0x10100] =	vst v63  }
0x51: {  	v3 =	vperm.xlane v3, v2  }
0x52: {  	[tilespmem:s13], [sflag:$0x1] =	stream.indirect_vreg.gather [hbm4b:s4+s2], $0x80, v4, vm0, $0xb8;
	[tilespmem:$0x10100] =	vst v63  }
0x53: {  	v3 =	vadd.s32 v1, v3  }
0x54: {  	[tilespmem:s14], [sflag:$0x1] =	stream.indirect_vreg.gather [hbm4b:s5+s2], $0x80, v4, vm0, $0xb8;
	[tilespmem:$0x10100] =	vst v63  }
0x55: {  	_ = 	snop  }
0x56: {  	[tilespmem:s15], [sflag:$0x1] =	stream.indirect_vreg.gather [hbm4b:s6+s2], $0x80, v4, vm0, $0xb8;
	[tilespmem:$0x10100] =	vst v63  }
0x57: {  	_ = 	snop  }
0x58: {  	[tilespmem:s16], [sflag:$0x1] =	stream.indirect_vreg.gather [hbm4b:s3+s2], $0x80, v3, vm0, $0xb8;
	[tilespmem:$0x10100] =	vst v63  }
0x59: {  	_ = 	snop  }
0x5a: {  	[tilespmem:s17], [sflag:$0x1] =	stream.indirect_vreg.gather [hbm4b:s4+s2], $0x80, v3, vm0, $0xb8;
	[tilespmem:$0x10100] =	vst v63  }
0x5b: {  	_ = 	snop  }
0x5c: {  	[tilespmem:s9], [sflag:$0x1] =	stream.indirect_vreg.gather [hbm4b:s5+s2], $0x80, v3, vm0, $0xb8;
	[tilespmem:$0x10100] =	vst v63  }
0x5d: {  	s19 =	simm.s32 $0xB900  }
0x5e: {  	[tilespmem:s19], [sflag:$0x1] =	stream.indirect_vreg.gather [hbm4b:s6+s2], $0x80, v3, vm0, $0xb8;
	[tilespmem:$0x10100] =	vst v63  }
0x5f: {  	v3 =	vld [tilespmem:$0x90];
	_ =	sdelay $0x4  }
0x60: {  	v59 =	vshll.u32 v3, $0x3  }
0x61: {  	v3 =	vand.u32 $0x7, v3;
	v4 =	vand.u32 $0xFFFFFFC0, v59  }
0x62: {  	v3 =	vor.u32 v3, v4  }
0x63: {  	v4 =	vperm.xlane v3, v0;
	_ =	sdelay $0x1  }
0x64: {  	v4 =	vadd.s32 v1, v4;
	_ =	sdelay $0x3  }
0x65: {  	s19 =	simm.s32 $0xC100  }
0x66: {  	[tilespmem:s19], [sflag:$0x1] =	stream.indirect_vreg.gather [hbm4b:s3+s2], $0x80, v4, vm0, $0xb8;
	[tilespmem:$0x10100] =	vst v63  }
0x67: {  	v3 =	vperm.xlane v3, v2;
	s19 =	simm.s32 $0xC900  }
0x68: {  	[tilespmem:s19], [sflag:$0x1] =	stream.indirect_vreg.gather [hbm4b:s4+s2], $0x80, v4, vm0, $0xb8;
	[tilespmem:$0x10100] =	vst v63  }
0x69: {  	v3 =	vadd.s32 v1, v3;
	s19 =	simm.s32 $0xD100  }
0x6a: {  	[tilespmem:s19], [sflag:$0x1] =	stream.indirect_vreg.gather [hbm4b:s5+s2], $0x80, v4, vm0, $0xb8;
	[tilespmem:$0x10100] =	vst v63  }
0x6b: {  	s19 =	simm.s32 $0xD900  }
0x6c: {  	[tilespmem:s19], [sflag:$0x1] =	stream.indirect_vreg.gather [hbm4b:s6+s2], $0x80, v4, vm0, $0xb8;
	[tilespmem:$0x10100] =	vst v63  }
0x6d: {  	s19 =	simm.s32 $0xE100  }
0x6e: {  	[tilespmem:s19], [sflag:$0x1] =	stream.indirect_vreg.gather [hbm4b:s3+s2], $0x80, v3, vm0, $0xb8;
	[tilespmem:$0x10100] =	vst v63  }
0x6f: {  	s19 =	simm.s32 $0xE900  }
0x70: {  	[tilespmem:s19], [sflag:$0x1] =	stream.indirect_vreg.gather [hbm4b:s4+s2], $0x80, v3, vm0, $0xb8;
	[tilespmem:$0x10100] =	vst v63  }
0x71: {  	s19 =	simm.s32 $0xF100  }
0x72: {  	[tilespmem:s19], [sflag:$0x1] =	stream.indirect_vreg.gather [hbm4b:s5+s2], $0x80, v3, vm0, $0xb8;
	[tilespmem:$0x10100] =	vst v63  }
0x73: {  	s19 =	simm.s32 $0xF900  }
0x74: {  	[tilespmem:s19], [sflag:$0x1] =	stream.indirect_vreg.gather [hbm4b:s6+s2], $0x80, v3, vm0, $0xb8;
	[tilespmem:$0x10100] =	vst v63  }
0x75: {  	_ =	swait.ge [sflag:s18], $0x8000  }
0x76: {  	[sflag:s18] =	ssyncset.done $0x0  }
0x77: {  	[sflag:s18] =	ssyncadd.s32 $0xFFFF8000  }
0x78: {  	_ =	swait.ge [sflag:s18], $0x8000  }
0x79: {  	[sflag:s18] =	ssyncset.done $0x0  }
0x7a: {  	s19 =	rddreg [dreg:$0x5];
	[sflag:s18] =	ssyncadd.s32 $0xFFFF8000  }
0x7b: {  	[hbm4b:s19+s2] =	stream.linear.scatter [tilespmem:s25], [sflag:$0x2], $0x8000, $0x38;
	[tilespmem:$0x10100] =	vst v63  }
0x7c: {  	_ =	swait.ge [sflag:s8], $0x8000  }
0x7d: {  	[sflag:s8] =	ssyncset.done $0x0  }
0x7e: {  	s19 =	rddreg [dreg:$0x6];
	[sflag:s8] =	ssyncadd.s32 $0xFFFF8000  }
0x7f: {  	[hbm4b:s19+s2] =	stream.linear.scatter [tilespmem:s0], [sflag:$0x2], $0x8000, $0x38;
	[tilespmem:$0x10100] =	vst v63  }
0x80: {  	_ =	swait.ge [sflag:s8], $0x8000  }
0x81: {  	[sflag:s8] =	ssyncset.done $0x0  }
0x82: {  	[sflag:s8] =	ssyncadd.s32 $0xFFFF8000  }
0x83: {  	v3 =	vld [tilespmem:$0x20];
	_ =	sdelay $0x4  }
0x84: {  	v60 =	vshll.u32 v3, $0x3  }
0x85: {  	v3 =	vand.u32 $0x7, v3;
	v4 =	vand.u32 $0xFFFFFFC0, v60  }
0x86: {  	v3 =	vor.u32 v3, v4  }
0x87: {  	v4 =	vperm.xlane v3, v0;
	_ =	sdelay $0x1  }
0x88: {  	v4 =	vadd.s32 v1, v4;
	_ =	sdelay $0x4  }
0x89: {  	[tilespmem:s25], [sflag:$0x1] =	stream.indirect_vreg.gather [hbm4b:s3+s2], $0x80, v4, vm0, $0xb8;
	[tilespmem:$0x10100] =	vst v63  }
0x8a: {  	v3 =	vperm.xlane v3, v2  }
0x8b: {  	[tilespmem:s20], [sflag:$0x1] =	stream.indirect_vreg.gather [hbm4b:s4+s2], $0x80, v4, vm0, $0xb8;
	[tilespmem:$0x10100] =	vst v63  }
0x8c: {  	v3 =	vadd.s32 v1, v3  }
0x8d: {  	[tilespmem:s21], [sflag:$0x1] =	stream.indirect_vreg.gather [hbm4b:s5+s2], $0x80, v4, vm0, $0xb8;
	[tilespmem:$0x10100] =	vst v63  }
0x8e: {  	_ = 	snop  }
0x8f: {  	[tilespmem:s22], [sflag:$0x1] =	stream.indirect_vreg.gather [hbm4b:s6+s2], $0x80, v4, vm0, $0xb8;
	[tilespmem:$0x10100] =	vst v63  }
0x90: {  	_ = 	snop  }
0x91: {  	[tilespmem:s23], [sflag:$0x1] =	stream.indirect_vreg.gather [hbm4b:s3+s2], $0x80, v3, vm0, $0xb8;
	[tilespmem:$0x10100] =	vst v63  }
0x92: {  	_ = 	snop  }
0x93: {  	[tilespmem:s24], [sflag:$0x1] =	stream.indirect_vreg.gather [hbm4b:s4+s2], $0x80, v3, vm0, $0xb8;
	[tilespmem:$0x10100] =	vst v63  }
0x94: {  	_ = 	snop  }
0x95: {  	[tilespmem:s26], [sflag:$0x1] =	stream.indirect_vreg.gather [hbm4b:s5+s2], $0x80, v3, vm0, $0xb8;
	[tilespmem:$0x10100] =	vst v63  }
0x96: {  	_ = 	snop  }
0x97: {  	[tilespmem:s28], [sflag:$0x1] =	stream.indirect_vreg.gather [hbm4b:s6+s2], $0x80, v3, vm0, $0xb8;
	[tilespmem:$0x10100] =	vst v63  }
0x98: {  	v3 =	vld [tilespmem:$0x30];
	_ =	sdelay $0x4  }
0x99: {  	v61 =	vshll.u32 v3, $0x3  }
0x9a: {  	v3 =	vand.u32 $0x7, v3;
	v4 =	vand.u32 $0xFFFFFFC0, v61  }
0x9b: {  	v3 =	vor.u32 v3, v4  }
0x9c: {  	v4 =	vperm.xlane v3, v0;
	_ =	sdelay $0x1  }
0x9d: {  	v4 =	vadd.s32 v1, v4;
	_ =	sdelay $0x4  }
0x9e: {  	[tilespmem:s29], [sflag:$0x1] =	stream.indirect_vreg.gather [hbm4b:s3+s2], $0x80, v4, vm0, $0xb8;
	[tilespmem:$0x10100] =	vst v63  }
0x9f: {  	v3 =	vperm.xlane v3, v2  }
0xa0: {  	[tilespmem:s30], [sflag:$0x1] =	stream.indirect_vreg.gather [hbm4b:s4+s2], $0x80, v4, vm0, $0xb8;
	[tilespmem:$0x10100] =	vst v63  }
0xa1: {  	v3 =	vadd.s32 v1, v3  }
0xa2: {  	[tilespmem:s31], [sflag:$0x1] =	stream.indirect_vreg.gather [hbm4b:s5+s2], $0x80, v4, vm0, $0xb8;
	[tilespmem:$0x10100] =	vst v63  }
0xa3: {  	s20 =	simm.s32 $0x5900  }
0xa4: {  	[tilespmem:s20], [sflag:$0x1] =	stream.indirect_vreg.gather [hbm4b:s6+s2], $0x80, v4, vm0, $0xb8;
	[tilespmem:$0x10100] =	vst v63  }
0xa5: {  	_ = 	snop  }
0xa6: {  	[tilespmem:s1], [sflag:$0x1] =	stream.indirect_vreg.gather [hbm4b:s3+s2], $0x80, v3, vm0, $0xb8;
	[tilespmem:$0x10100] =	vst v63  }
0xa7: {  	_ = 	snop  }
0xa8: {  	[tilespmem:s10], [sflag:$0x1] =	stream.indirect_vreg.gather [hbm4b:s4+s2], $0x80, v3, vm0, $0xb8;
	[tilespmem:$0x10100] =	vst v63  }
0xa9: {  	_ = 	snop  }
0xaa: {  	[tilespmem:s11], [sflag:$0x1] =	stream.indirect_vreg.gather [hbm4b:s5+s2], $0x80, v3, vm0, $0xb8;
	[tilespmem:$0x10100] =	vst v63  }
0xab: {  	_ = 	snop  }
0xac: {  	[tilespmem:s12], [sflag:$0x1] =	stream.indirect_vreg.gather [hbm4b:s6+s2], $0x80, v3, vm0, $0xb8;
	[tilespmem:$0x10100] =	vst v63  }
0xad: {  	v3 =	vld [tilespmem:$0xA0];
	_ =	sdelay $0x4  }
0xae: {  	v62 =	vshll.u32 v3, $0x3  }
0xaf: {  	v3 =	vand.u32 $0x7, v3;
	v4 =	vand.u32 $0xFFFFFFC0, v62  }
0xb0: {  	v3 =	vor.u32 v3, v4  }
0xb1: {  	v4 =	vperm.xlane v3, v0;
	_ =	sdelay $0x1  }
0xb2: {  	v4 =	vadd.s32 v1, v4;
	_ =	sdelay $0x4  }
0xb3: {  	[tilespmem:s0], [sflag:$0x1] =	stream.indirect_vreg.gather [hbm4b:s3+s2], $0x80, v4, vm0, $0xb8;
	[tilespmem:$0x10100] =	vst v63  }
0xb4: {  	v3 =	vperm.xlane v3, v2  }
0xb5: {  	[tilespmem:s13], [sflag:$0x1] =	stream.indirect_vreg.gather [hbm4b:s4+s2], $0x80, v4, vm0, $0xb8;
	[tilespmem:$0x10100] =	vst v63  }
0xb6: {  	v3 =	vadd.s32 v1, v3  }
0xb7: {  	[tilespmem:s14], [sflag:$0x1] =	stream.indirect_vreg.gather [hbm4b:s5+s2], $0x80, v4, vm0, $0xb8;
	[tilespmem:$0x10100] =	vst v63  }
0xb8: {  	_ = 	snop  }
0xb9: {  	[tilespmem:s15], [sflag:$0x1] =	stream.indirect_vreg.gather [hbm4b:s6+s2], $0x80, v4, vm0, $0xb8;
	[tilespmem:$0x10100] =	vst v63  }
0xba: {  	_ = 	snop  }
0xbb: {  	[tilespmem:s16], [sflag:$0x1] =	stream.indirect_vreg.gather [hbm4b:s3+s2], $0x80, v3, vm0, $0xb8;
	[tilespmem:$0x10100] =	vst v63  }
0xbc: {  	_ = 	snop  }
0xbd: {  	[tilespmem:s17], [sflag:$0x1] =	stream.indirect_vreg.gather [hbm4b:s4+s2], $0x80, v3, vm0, $0xb8;
	[tilespmem:$0x10100] =	vst v63  }
0xbe: {  	_ = 	snop  }
0xbf: {  	[tilespmem:s9], [sflag:$0x1] =	stream.indirect_vreg.gather [hbm4b:s5+s2], $0x80, v3, vm0, $0xb8;
	[tilespmem:$0x10100] =	vst v63  }
0xc0: {  	s20 =	simm.s32 $0xB900  }
0xc1: {  	[tilespmem:s20], [sflag:$0x1] =	stream.indirect_vreg.gather [hbm4b:s6+s2], $0x80, v3, vm0, $0xb8;
	[tilespmem:$0x10100] =	vst v63  }
0xc2: {  	v3 =	vld [tilespmem:$0xB0];
	_ =	sdelay $0x4  }
0xc3: {  	v63 =	vshll.u32 v3, $0x3  }
0xc4: {  	v3 =	vand.u32 $0x7, v3;
	v4 =	vand.u32 $0xFFFFFFC0, v63  }
0xc5: {  	v3 =	vor.u32 v3, v4  }
0xc6: {  	v4 =	vperm.xlane v3, v0;
	_ =	sdelay $0x1  }
0xc7: {  	v4 =	vadd.s32 v1, v4;
	_ =	sdelay $0x3  }
0xc8: {  	s19 =	simm.s32 $0xC100  }
0xc9: {  	[tilespmem:s19], [sflag:$0x1] =	stream.indirect_vreg.gather [hbm4b:s3+s2], $0x80, v4, vm0, $0xb8;
	[tilespmem:$0x10100] =	vst v63  }
0xca: {  	s20 =	simm.s32 $0xC900;
	v3 =	vperm.xlane v3, v2  }
0xcb: {  	[tilespmem:s20], [sflag:$0x1] =	stream.indirect_vreg.gather [hbm4b:s4+s2], $0x80, v4, vm0, $0xb8;
	[tilespmem:$0x10100] =	vst v63  }
0xcc: {  	v3 =	vadd.s32 v1, v3;
	s19 =	simm.s32 $0xD100  }
0xcd: {  	[tilespmem:s19], [sflag:$0x1] =	stream.indirect_vreg.gather [hbm4b:s5+s2], $0x80, v4, vm0, $0xb8;
	[tilespmem:$0x10100] =	vst v63  }
0xce: {  	s20 =	simm.s32 $0xD900  }
0xcf: {  	[tilespmem:s20], [sflag:$0x1] =	stream.indirect_vreg.gather [hbm4b:s6+s2], $0x80, v4, vm0, $0xb8;
	[tilespmem:$0x10100] =	vst v63  }
0xd0: {  	s19 =	simm.s32 $0xE100  }
0xd1: {  	[tilespmem:s19], [sflag:$0x1] =	stream.indirect_vreg.gather [hbm4b:s3+s2], $0x80, v3, vm0, $0xb8;
	[tilespmem:$0x10100] =	vst v63  }
0xd2: {  	s20 =	simm.s32 $0xE900  }
0xd3: {  	[tilespmem:s20], [sflag:$0x1] =	stream.indirect_vreg.gather [hbm4b:s4+s2], $0x80, v3, vm0, $0xb8;
	[tilespmem:$0x10100] =	vst v63  }
0xd4: {  	s19 =	simm.s32 $0xF100  }
0xd5: {  	[tilespmem:s19], [sflag:$0x1] =	stream.indirect_vreg.gather [hbm4b:s5+s2], $0x80, v3, vm0, $0xb8;
	[tilespmem:$0x10100] =	vst v63  }
0xd6: {  	s20 =	simm.s32 $0xF900  }
0xd7: {  	[tilespmem:s20], [sflag:$0x1] =	stream.indirect_vreg.gather [hbm4b:s6+s2], $0x80, v3, vm0, $0xb8;
	[tilespmem:$0x10100] =	vst v63  }
0xd8: {  	_ =	swait.ge [sflag:s18], $0x8000  }
0xd9: {  	[sflag:s18] =	ssyncset.done $0x0  }
0xda: {  	[sflag:s18] =	ssyncadd.s32 $0xFFFF8000  }
0xdb: {  	_ =	swait.ge [sflag:s18], $0x8000  }
0xdc: {  	[sflag:s18] =	ssyncset.done $0x0  }
0xdd: {  	s1 =	rddreg [dreg:$0x7];
	[sflag:s18] =	ssyncadd.s32 $0xFFFF8000  }
0xde: {  	[hbm4b:s1+s2] =	stream.linear.scatter [tilespmem:s25], [sflag:$0x2], $0x8000, $0x38;
	[tilespmem:$0x10100] =	vst v63  }
0xdf: {  	_ =	swait.ge [sflag:s8], $0x8000  }
0xe0: {  	p0 =	sne.s32 s7, $0x1;
	[sflag:s8] =	ssyncset.done $0x0  }
.Ltmp0:
0xe1: {  	s20 =	rddreg [dreg:$0x8];
	[sflag:s8] =	ssyncadd.s32 $0xFFFF8000;
	(pc) =	sbr.rel @p0 .LBB2_1-.Ltmp0, $4  }
0xe2: {  	[hbm4b:s20+s2] =	stream.linear.scatter [tilespmem:s0], [sflag:$0x2], $0x8000, $0x38;
	[tilespmem:$0x10100] =	vst v63  }
0xe3: {  	_ =	swait.ge [sflag:s8], $0x8000  }
0xe4: {  	[sflag:s8] =	ssyncset.done $0x0  }
0xe5: {  	s7 =	sadd.s32 $0xFFFFFFFF, s7;
	[sflag:s8] =	ssyncadd.s32 $0xFFFF8000  }
0xe6: {  	_ =	sfence.sel $0x180000  }
0xe7: {  	[bflag:$0x0] =	sbarrier.arrive $0xFFFF  }
0xe8: {  	_ =	strace $0x9000004A  }
0xe9: {  	s0 =	stileid.u32;
	[bflag:$0x2] =	sbarrier.arrive $0xFFFF  }
0xea: {  	p0 =	sne.s32 s0, $0x0;
	s0 =	rddreg [dreg:$0x2]  }
0xeb: {  	s0 =	sadd.s32 @!p0 $0x100000, s0  }
0xec: {  	[sflag:s0] =	ssyncadd.tile.s32 @!p0 $0x1;
	_ =	shalt  }
.Lfunc_end2:
_tile_overlayer_lowered:
.L_overlay_start_2:
0xed: {  	(tag) =	ssettag $0x2  }
0xee: {  	s0 =	rddreg [dreg:$0x0];
	s2 =	stileid.u32  }
0xef: {  	s1 =	rddreg [dreg:$0x1];
	p0 =	sne.s32 s2, $0x0  }
0xf0: {  	s3 =	rddreg [dreg:$0x2];
	[bflag:$0x3] =	sbarrier.arrive $0xFFFF;
	s2 =	simm.s32 @!p0 $0x1C02  }
0xf1: {  	[timem:s3], [sflag:s2] =	dma.local @!p0 [hbm:s0], s1  }
0xf2: {  	s0 =	simm.s32 @!p0 $0x2  }
0xf3: {  	_ =	swait.ge @!p0 [sflag:s0], s1  }
0xf4: {  	s1 =	ssub.s32 @!p0 $0x0, s1;
	[sflag:s0] =	ssyncset.done @!p0 $0x0  }
0xf5: {  	[sflag:s0] =	ssyncadd.s32 @!p0 s1  }
0xf6: {  	[bflag:$0x3] =	sbarrier.arrive $0xFFFF  }
0xf7: {  	_ =	shalt  }

// kernel: kernel.8.cloned.1.call-start
scs
__scs_entry_jumppad:
0x0: {  	(pc) =	sbr.rel $0x88, $3  }
0x1: {  	(tag) =	ssettag $0x0;
	lr =	simm.s32 $0x1  }
0x2: {  	[smem:$0x3F98] =	sst lr;
	_ =	strace $0xD0000000  }
0x3: {  	_ = 	snop  }
0x4: {  	_ = 	snop  }
0x5: {  	_ = 	snop  }
0x6: {  	_ = 	snop  }
0x7: {  	_ = 	snop  }
__scs_overlays_trampoline_lowered:
0x8: {  	[smem:$0x3FA7] =	sst s0  }
0x9: {  	[smem:$0x3FA8] =	sst s1  }
0xa: {  	[smem:$0x3FA9] =	sst s2  }
0xb: {  	[smem:$0x3FAA] =	sst s3  }
0xc: {  	[smem:$0x3FAB] =	sst s4  }
0xd: {  	[smem:$0x3FAC] =	sst s5  }
0xe: {  	[smem:$0x3FAD] =	sst s6  }
0xf: {  	[smem:$0x3FAE] =	sst s7  }
0x10: {  	[smem:$0x3FAF] =	sst s8  }
0x11: {  	[smem:$0x3FB0] =	sst s9;
	s0 =	simm.s32 @!p0 $0x0  }
0x12: {  	s1 =	sld [smem:$0x3F96];
	s0 =	simm.s32 @p0 $0x1  }
0x13: {  	[smem:$0x3FB1] =	sst s0;
	s0 =	simm.s32 @!p1 $0x0  }
0x14: {  	s2 =	sld [smem:$0x3F95];
	s0 =	simm.s32 @p1 $0x1  }
0x15: {  	[smem:$0x3FB2] =	sst s0;
	s0 =	simm.s32 @!p2 $0x0  }
0x16: {  	s3 =	sld [smem:$0x3FDB];
	s0 =	simm.s32 @p2 $0x1  }
0x17: {  	s4 =	simm.s32 $0x1BF5;
	[smem:$0x3FB4] =	sst s0  }
0x18: {  	s0 =	sld [smem:$0x3F97];
	_ =	swait.ge [sflag:s4], $0x0  }
0x19: {  	s7 =	sld [smem:$0x3F98]  }
0x1a: {  	s8 =	sadd.s32 $0xFFFFE003, lr  }
0x1b: {  	s9 =	sadd.s32 $0xFFFFFEF7, lr;
	s5 =	simm.s32 $0xFFFFFFFF;
	p2 =	slt.u32 s8, $0xFFFFF086  }
0x1c: {  	p1 =	slt.u32 s9, $0xF7A;
	s5 =	simm.s32 @!p2 $0x0  }
0x1d: {  	s5 =	simm.s32 @p1 $0x1;
	p0 =	seq.s32 s7, s2  }
0x1e: {  	s7 =	smul.u32 @!p0 $0xF7A, s2;
	p2 =	seq.s32 @!p0 s5, $0x0  }
0x1f: {  	s9 =	smul.u32 $0xF7A, s1;
	s8 =	simm.s32 @!p0 $0x1BF5;
	p2 =	por !p2, p0  }
0x20: {  	[sflag:s8] =	ssyncset.s32 @!p0 $0xFFFFF086;
	s6 =	sadd.s32 @!p0 s3, s7;
	s7 =	simm.s32 @!p0 $0x108  }
0x21: {  	s3 =	sadd.s32 s3, s9;
	s6 =	sadd.s32 @!p0 $0x88, s6;
	s7 =	simm.s32 @p2 $0x1082  }
0x22: {  	[simem:s7], [sflag:s8] =	dma.local @!p0 [hbm:s6], $0xF7A  }
0x23: {  	s9 =	sor.u32 $0xD0000000, s2;
	s6 =	simm.s32 $0x108;
	_ =	swait.ge @!p0 [sflag:s8], $0x0  }
0x24: {  	s3 =	sadd.s32 $0x88, s3;
	s6 =	simm.s32 @!p1 $0x1082;
	[sflag:s4] =	ssyncset.s32 $0xFFFFF086  }
0x25: {  	[simem:s6], [sflag:s4] =	dma.local [hbm:s3], $0xF7A  }
0x26: {  	[smem:$0x3F98] =	sst s1;
	(tag) =	ssettag s2;
	_ =	strace s9  }
0x27: {  	s1 =	sld [smem:$0x3FA8]  }
0x28: {  	s2 =	sld [smem:$0x3FA9]  }
0x29: {  	s4 =	sld [smem:$0x3FAB]  }
0x2a: {  	p0 =	seq.s32 s5, $0x0;
	s5 =	sld [smem:$0x3FAC]  }
0x2b: {  	s6 =	sld [smem:$0x3FAD]  }
0x2c: {  	s7 =	sld [smem:$0x3FAE]  }
0x2d: {  	s3 =	simm.s32 $0x108;
	s8 =	sld [smem:$0x3FAF]  }
0x2e: {  	s3 =	simm.s32 @!p0 $0x1082;
	s9 =	sld [smem:$0x3FB0]  }
0x2f: {  	lr =	sadd.s32 s0, s3;
	s0 =	sld [smem:$0x3FA7]  }
0x30: {  	s3 =	sld [smem:$0x3FAA]  }
0x31: {  	[smem:$0x3FB3] =	sst s10  }
0x32: {  	s10 =	sld [smem:$0x3FB1];
	_ =	sdelay $0x3  }
0x33: {  	p0 =	seq.s32 s10, $0x1;
	s10 =	sld [smem:$0x3FB3];
	_ =	sdelay $0x3  }
0x34: {  	[smem:$0x3FB3] =	sst s10  }
0x35: {  	s10 =	sld [smem:$0x3FB2];
	_ =	sdelay $0x3  }
0x36: {  	p1 =	seq.s32 s10, $0x1;
	s10 =	sld [smem:$0x3FB3];
	_ =	sdelay $0x3  }
0x37: {  	[smem:$0x3FB3] =	sst s10  }
0x38: {  	s10 =	sld [smem:$0x3FB4]  }
0x39: {  	_ = 	snop;
	(pc) =	sbr.ind lr, $3  }
0x3a: {  	_ = 	snop  }
0x3b: {  	_ = 	snop  }
0x3c: {  	p2 =	seq.s32 s10, $0x1;
	s10 =	sld [smem:$0x3FB3]  }
0x3d: {  	_ =	shalt  }
0x3e: {  	_ =	shalt  }
0x3f: {  	_ =	shalt  }
0x40: {  	_ =	shalt  }
0x41: {  	_ =	shalt  }
0x42: {  	_ =	shalt  }
0x43: {  	_ =	shalt  }
0x44: {  	_ =	shalt  }
0x45: {  	_ =	shalt  }
0x46: {  	_ =	shalt  }
0x47: {  	_ =	shalt  }
0x48: {  	_ =	shalt  }
0x49: {  	_ =	shalt  }
0x4a: {  	_ =	shalt  }
0x4b: {  	_ =	shalt  }
0x4c: {  	_ =	shalt  }
0x4d: {  	_ =	shalt  }
0x4e: {  	_ =	shalt  }
0x4f: {  	_ =	shalt  }
0x50: {  	_ =	shalt  }
0x51: {  	_ =	shalt  }
0x52: {  	_ =	shalt  }
0x53: {  	_ =	shalt  }
0x54: {  	_ =	shalt  }
0x55: {  	_ =	shalt  }
0x56: {  	_ =	shalt  }
0x57: {  	_ =	shalt  }
0x58: {  	_ =	shalt  }
0x59: {  	_ =	shalt  }
0x5a: {  	_ =	shalt  }
0x5b: {  	_ =	shalt  }
0x5c: {  	_ =	shalt  }
0x5d: {  	_ =	shalt  }
0x5e: {  	_ =	shalt  }
0x5f: {  	_ =	shalt  }
0x60: {  	_ =	shalt  }
0x61: {  	_ =	shalt  }
0x62: {  	_ =	shalt  }
0x63: {  	_ =	shalt  }
0x64: {  	_ =	shalt  }
0x65: {  	_ =	shalt  }
0x66: {  	_ =	shalt  }
0x67: {  	_ =	shalt  }
0x68: {  	_ =	shalt  }
0x69: {  	_ =	shalt  }
0x6a: {  	_ =	shalt  }
0x6b: {  	_ =	shalt  }
0x6c: {  	_ =	shalt  }
0x6d: {  	_ =	shalt  }
0x6e: {  	_ =	shalt  }
0x6f: {  	_ =	shalt  }
0x70: {  	_ =	shalt  }
0x71: {  	_ =	shalt  }
0x72: {  	_ =	shalt  }
0x73: {  	_ =	shalt  }
0x74: {  	_ =	shalt  }
0x75: {  	_ =	shalt  }
0x76: {  	_ =	shalt  }
0x77: {  	_ =	shalt  }
0x78: {  	_ =	shalt  }
0x79: {  	_ =	shalt  }
0x7a: {  	_ =	shalt  }
0x7b: {  	_ =	shalt  }
0x7c: {  	_ =	shalt  }
0x7d: {  	_ =	shalt  }
0x7e: {  	_ =	shalt  }
0x7f: {  	_ =	shalt  }
0x80: {  	_ =	shalt  }
0x81: {  	_ =	shalt  }
0x82: {  	_ =	shalt  }
0x83: {  	_ =	shalt  }
0x84: {  	_ =	shalt  }
0x85: {  	_ =	shalt  }
0x86: {  	_ =	shalt  }
0x87: {  	_ =	shalt  }
.Lfunc_end0:
.L_simem_size_0:
called_computation_lowered:
.L_overlay_start_0:
0x88: {  	s2 =	sld [smem:$0x3FD9]  }
0x89: {  	s3 =	sld [smem:$0x3FFE];
	_ =	sdelay $0x1  }
0x8a: {  	s1 =	srdreg.scid  }
0x8b: {  	s0 =	sand.u32 $0x1, s1  }
0x8c: {  	s17 =	sshll.u32 s0, $0xA;
	s2 =	sadd.s32 s3, s2  }
0x8d: {  	s2 =	sadd.s32 s2, s17  }
0x8e: {  	[smem:$0x3FBF] =	sst s2  }
0x8f: {  	_ = 	snop  }
0x90: {  	s2 =	sld [smem:$0x3FC9];
	(tm) =	ssettm $0x1  }
0x91: {  	s18 =	sld [smem:$0x3FFB];
	_ =	sdelay $0x3  }
0x92: {  	_ =	strace s18  }
0x93: {  	s3 =	sld [smem:$0x3FFC];
	_ =	sdelay $0x3  }
0x94: {  	_ =	strace s3  }
0x95: {  	s3 =	sld [smem:$0x3FFD];
	_ =	sdelay $0x3  }
0x96: {  	_ =	strace s3  }
0x97: {  	_ =	strace $0x8FFFFFFF  }
0x98: {  	s19 =	sld [smem:$0x3FDB];
	_ =	sdelay $0x1  }
0x99: {  	s4 =	simm.s32 $_scs_section_size  }
0x9a: {  	s5 =	simm.s32 $_size__tile_overlayer_lowered;
	s6 =	simm.s32 $_tile_overlayer_lowered  }
0x9b: {  	s22 =	simm.s32 $0x1BFF;
	s21 =	sshll.u32 s6, $0x1;
	s3 =	sadd.s32 s4, s19  }
0x9c: {  	s7 =	simm.s32 $0x0;
	s20 =	sshll.u32 s5, $0x1;
	s5 =	sadd.s32 s21, s3  }
0x9d: {  	[timem:s7], [sflag:s22] =	dma.local [hbm:s5], s20  }
0x9e: {  	_ =	swait.ge [sflag:s22], s20  }
0x9f: {  	s4 =	ssub.s32 $0x0, s20;
	[sflag:s22] =	ssyncset.done $0x0  }
0xa0: {  	[sflag:s22] =	ssyncadd.s32 s4;
	_ =	sdelay $0x1  }
0xa1: {  	s23 =	simm.s32 $0x1B8B  }
0xa2: {  	_ =	swait.ge [sflag:s23], $0x1  }
0xa3: {  	[sflag:s23] =	ssyncset.done $0x0  }
0xa4: {  	s25 =	simm.s32 $0x1B8E;
	s24 =	sld [smem:$0x3FFE];
	[sflag:s23] =	ssyncadd.s32 $0xFFFFFFFF  }
0xa5: {  	s26 =	simm.s32 $execute0_lowered;
	[smem:$0x3FD2] =	sst s25  }
0xa6: {  	s5 =	sshll.u32 s26, $0x1;
	_ =	strace $0x80000046;
	[dreg:$0x1] =	wrdreg $0xFFFFFFFF  }
0xa7: {  	s28 =	simm.s32 $_size_execute0_lowered;
	s3 =	sadd.s32 s3, s5;
	[dreg:$0x0] =	wrdreg $0x0  }
0xa8: {  	s5 =	sshll.u32 s28, $0x1;
	[dreg:$0x2] =	wrdreg s3  }
0xa9: {  	[dreg:$0x3] =	wrdreg s5  }
0xaa: {  	[dreg:$0x4] =	wrdreg $0xC0  }
0xab: {  	_ =	task [dreg:s7], $0x5FFFF  }
0xac: {  	[dreg:$0x1] =	wrdreg $0xFFFFFFFF  }
0xad: {  	[dreg:$0x0] =	wrdreg $0x60  }
0xae: {  	[dreg:$0x2] =	wrdreg s2  }
0xaf: {  	[dreg:$0x3] =	wrdreg s24  }
0xb0: {  	[dreg:$0x4] =	wrdreg $0x9  }
0xb1: {  	_ =	task.clear_ibuf [dreg:s7], $0x5FFFF;
	_ =	strace $0x90000046  }
0xb2: {  	s29 =	simm.s32 $0x9;
	_ =	strace $0x80000048  }
0xb3: {  	_ =	swait.ge [sflag:s29], $0x1  }
0xb4: {  	[sflag:s29] =	ssyncadd.s32 $0xFFFFFFFF  }
0xb5: {  	_ =	strace $0x90000048  }
0xb6: {  	_ =	sfence  }
0xb7: {  	s30 =	sld [smem:$0x0];
	_ =	sdelay $0x2  }
0xb8: {  	s31 =	sshll.u32 s1, $0xD;
	s1 =	sshrl.u32 s1, $0x2  }
0xb9: {  	s3 =	sand.u32 $0x4000, s31;
	s1 =	sadd.s32 s1, s30  }
0xba: {  	s0 =	sor.u32 s3, s0;
	s1 =	sshll.u32 s1, $0x11  }
0xbb: {  	s0 =	sor.u32 s1, s0  }
0xbc: {  	s0 =	sadd.s32 $0x8F2B, s0  }
0xbd: {  	[sflag:s0] =	ssyncadd.remote.s32 $0x1  }
0xbe: {  	_ =	sfence.sel $0xFFFF  }
0xbf: {  	[dreg:$0x0] =	wrdreg $0xFFFFFFFF;
	(pc) =	sbr.abs _section_cstart, $3  }
0xc0: {  	[dreg:$0x1] =	wrdreg $0xFFFFFFFF  }
0xc1: {  	_ =	task.clear_ibuf [dreg:s7], $0x2FFFF;
	_ =	strace $0x9FFFFFFF  }
0xc2: {  	(tm) =	ssettm $0x7FFFFFFF  }
0xc3: {  	_ =	shalt  }
tec
execute0_lowered:
.L_overlay_start_1:
0x0: {  	(tag) =	ssettag $0x1  }
0x1: {  	s0 =	srdreg.scid  }
0x2: {  	s1 =	rddreg [dreg:$0x0];
	s2 =	stileid.u32  }
0x3: {  	s6 =	rddreg [dreg:$0x1];
	s26 =	simm.s32 $0x80;
	s8 =	simm.s32 $0x2  }
0x4: {  	s18 =	simm.s32 $0x100;
	s21 =	simm.s32 $0x1900;
	s22 =	simm.s32 $0x2100  }
0x5: {  	s23 =	simm.s32 $0x2900;
	s24 =	simm.s32 $0x3100;
	s28 =	simm.s32 $0x4900  }
0x6: {  	s29 =	simm.s32 $0x5100;
	s30 =	simm.s32 $0x5900;
	s31 =	simm.s32 $0x6100  }
0x7: {  	s10 =	simm.s32 $0x7900;
	s11 =	simm.s32 $0x8100;
	s12 =	simm.s32 $0x8900  }
0x8: {  	s13 =	simm.s32 $0x9100;
	s14 =	simm.s32 $0x9900;
	s15 =	simm.s32 $0xA100  }
0x9: {  	s16 =	simm.s32 $0xA900;
	s17 =	simm.s32 $0xB100;
	s9 =	simm.s32 $0xB900  }
0xa: {  	s0 =	sand.u32 $0x1, s0;
	s3 =	sshll.u32 s2, $0x7;
	s2 =	simm.s32 $0x0  }
0xb: {  	s4 =	sshll.u32 s0, $0x6;
	[smem:$0x7FF] =	sst s2;
	s0 =	ssub.s32 $0x2, s0  }
0xc: {  	s4 =	sor.u32 s4, s3;
	_ =	strace $0x80000047;
	s25 =	sshrl.u32 s0, $0x1  }
0xd: {  	[dreg:$0x6] =	wrdreg s26;
	s3 =	sshrl.u32 s4, $0x3;
	s4 =	sshll.u32 s4, $0x7  }
0xe: {  	s26 =	simm.s32 $0x4100;
	s5 =	sadd.s32 s3, s6;
	s1 =	sadd.s32 s1, s4  }
0xf: {  	s0 =	ssub.s32 s0, s25;
	s7 =	sadd.s32 $0x10400, s5;
	[dreg:$0x5] =	wrdreg s1  }
0x10: {  	v2 =	vlaneseq.u32;
	s25 =	simm.s32 $0x3900;
	s5 =	sadd.s32 $0x10600, s5;
	[dreg:$0x3] =	wrdreg s7  }
0x11: {  	vm0 =	vmmov $0xffff;
	v1 =	vshrl.u32 v2, $0x3;
	s3 =	sadd.s32 $0x10800, s6;
	s4 =	sadd.s32 $0x10900, s6;
	[dreg:$0x4] =	wrdreg s5  }
0x12: {  	v0 =	vand.u32 $0x7, v2;
	v2 =	vor.u32 $0x8, v2;
	v1 =	vmul.u32 $0x8, v1;
	s5 =	sadd.s32 $0x10A00, s6;
	s6 =	sadd.s32 $0x10B00, s6;
	s7 =	smax.u32 s0, $0x1  }
.LBB2_1:
0x13: {  	s19 =	rddreg [dreg:$0x3]  }
0x14: {  	[tilespmem:s2], [sflag:$0x2] =	stream.linear.gather [hbm4b:s19+s2], $0x40, $0x38;
	[tilespmem:$0x10100] =	vst v63  }
0x15: {  	_ =	swait.ge [sflag:s8], $0x40  }
0x16: {  	s0 =	rddreg [dreg:$0x4];
	[sflag:s8] =	ssyncset.done $0x0  }
0x17: {  	s20 =	rddreg [dreg:$0x6];
	[sflag:s8] =	ssyncadd.s32 $0xFFFFFFC0  }
0x18: {  	[tilespmem:s20], [sflag:$0x2] =	stream.linear.gather [hbm4b:s0+s2], $0x40, $0x38;
	[tilespmem:$0x10100] =	vst v63  }
0x19: {  	_ =	swait.ge [sflag:s8], $0x40  }
0x1a: {  	[sflag:s8] =	ssyncset.done $0x0  }
0x1b: {  	s1 =	rddreg [dreg:$0x5];
	[sflag:s8] =	ssyncadd.s32 $0xFFFFFFC0  }
0x1c: {  	[tilespmem:s18], [sflag:$0x2] =	stream.linear.gather [hbm4b:s1+s2], $0x10000, $0x38;
	[tilespmem:$0x10100] =	vst v63  }
0x1d: {  	_ =	swait.ge [sflag:s8], $0x10000  }
0x1e: {  	[sflag:s8] =	ssyncset.done $0x0  }
0x1f: {  	[sflag:s8] =	ssyncadd.s32 $0xFFFF0000  }
0x20: {  	v3 =	vld [tilespmem:$0x0];
	_ =	sdelay $0x4  }
0x21: {  	v4 =	vshll.u32 v3, $0x3  }
0x22: {  	v3 =	vand.u32 $0x7, v3;
	v4 =	vand.u32 $0xFFFFFFC0, v4  }
0x23: {  	v3 =	vor.u32 v3, v4  }
0x24: {  	v4 =	vperm.xlane v3, v0;
	_ =	sdelay $0x1  }
0x25: {  	v4 =	vadd.s32 v1, v4;
	_ =	sdelay $0x4  }
0x26: {  	[hbm4b:s3+s2] =	stream.indirect_vreg.scatter [tilespmem:s18], [sflag:$0x1], $0x80, v4, vm0, $0xb8;
	[tilespmem:$0x10100] =	vst v63  }
0x27: {  	s19 =	simm.s32 $0x900;
	v3 =	vperm.xlane v3, v2  }
0x28: {  	[hbm4b:s4+s2] =	stream.indirect_vreg.scatter [tilespmem:s19], [sflag:$0x1], $0x80, v4, vm0, $0xb8;
	[tilespmem:$0x10100] =	vst v63  }
0x29: {  	s20 =	simm.s32 $0x1100;
	v3 =	vadd.s32 v1, v3  }
0x2a: {  	[hbm4b:s5+s2] =	stream.indirect_vreg.scatter [tilespmem:s20], [sflag:$0x1], $0x80, v4, vm0, $0xb8;
	[tilespmem:$0x10100] =	vst v63  }
0x2b: {  	_ = 	snop  }
0x2c: {  	[hbm4b:s6+s2] =	stream.indirect_vreg.scatter [tilespmem:s21], [sflag:$0x1], $0x80, v4, vm0, $0xb8;
	[tilespmem:$0x10100] =	vst v63  }
0x2d: {  	_ = 	snop  }
0x2e: {  	[hbm4b:s3+s2] =	stream.indirect_vreg.scatter [tilespmem:s22], [sflag:$0x1], $0x80, v3, vm0, $0xb8;
	[tilespmem:$0x10100] =	vst v63  }
0x2f: {  	_ = 	snop  }
0x30: {  	[hbm4b:s4+s2] =	stream.indirect_vreg.scatter [tilespmem:s23], [sflag:$0x1], $0x80, v3, vm0, $0xb8;
	[tilespmem:$0x10100] =	vst v63  }
0x31: {  	_ = 	snop  }
0x32: {  	[hbm4b:s5+s2] =	stream.indirect_vreg.scatter [tilespmem:s24], [sflag:$0x1], $0x80, v3, vm0, $0xb8;
	[tilespmem:$0x10100] =	vst v63  }
0x33: {  	_ = 	snop  }
0x34: {  	[hbm4b:s6+s2] =	stream.indirect_vreg.scatter [tilespmem:s25], [sflag:$0x1], $0x80, v3, vm0, $0xb8;
	[tilespmem:$0x10100] =	vst v63  }
0x35: {  	v3 =	vld [tilespmem:$0x10];
	_ =	sdelay $0x4  }
0x36: {  	v57 =	vshll.u32 v3, $0x3  }
0x37: {  	v3 =	vand.u32 $0x7, v3;
	v4 =	vand.u32 $0xFFFFFFC0, v57  }
0x38: {  	v3 =	vor.u32 v3, v4  }
0x39: {  	v4 =	vperm.xlane v3, v0;
	_ =	sdelay $0x1  }
0x3a: {  	v4 =	vadd.s32 v1, v4;
	_ =	sdelay $0x4  }
0x3b: {  	[hbm4b:s3+s2] =	stream.indirect_vreg.scatter [tilespmem:s26], [sflag:$0x1], $0x80, v4, vm0, $0xb8;
	[tilespmem:$0x10100] =	vst v63  }
0x3c: {  	v3 =	vperm.xlane v3, v2  }
0x3d: {  	[hbm4b:s4+s2] =	stream.indirect_vreg.scatter [tilespmem:s28], [sflag:$0x1], $0x80, v4, vm0, $0xb8;
	[tilespmem:$0x10100] =	vst v63  }
0x3e: {  	v3 =	vadd.s32 v1, v3  }
0x3f: {  	[hbm4b:s5+s2] =	stream.indirect_vreg.scatter [tilespmem:s29], [sflag:$0x1], $0x80, v4, vm0, $0xb8;
	[tilespmem:$0x10100] =	vst v63  }
0x40: {  	_ = 	snop  }
0x41: {  	[hbm4b:s6+s2] =	stream.indirect_vreg.scatter [tilespmem:s30], [sflag:$0x1], $0x80, v4, vm0, $0xb8;
	[tilespmem:$0x10100] =	vst v63  }
0x42: {  	_ = 	snop  }
0x43: {  	[hbm4b:s3+s2] =	stream.indirect_vreg.scatter [tilespmem:s31], [sflag:$0x1], $0x80, v3, vm0, $0xb8;
	[tilespmem:$0x10100] =	vst v63  }
0x44: {  	s1 =	simm.s32 $0x6900  }
0x45: {  	[hbm4b:s4+s2] =	stream.indirect_vreg.scatter [tilespmem:s1], [sflag:$0x1], $0x80, v3, vm0, $0xb8;
	[tilespmem:$0x10100] =	vst v63  }
0x46: {  	s0 =	simm.s32 $0x7100  }
0x47: {  	[hbm4b:s5+s2] =	stream.indirect_vreg.scatter [tilespmem:s0], [sflag:$0x1], $0x80, v3, vm0, $0xb8;
	[tilespmem:$0x10100] =	vst v63  }
0x48: {  	_ = 	snop  }
0x49: {  	[hbm4b:s6+s2] =	stream.indirect_vreg.scatter [tilespmem:s10], [sflag:$0x1], $0x80, v3, vm0, $0xb8;
	[tilespmem:$0x10100] =	vst v63  }
0x4a: {  	v3 =	vld [tilespmem:$0x20];
	_ =	sdelay $0x4  }
0x4b: {  	v58 =	vshll.u32 v3, $0x3  }
0x4c: {  	v3 =	vand.u32 $0x7, v3;
	v4 =	vand.u32 $0xFFFFFFC0, v58  }
0x4d: {  	v3 =	vor.u32 v3, v4  }
0x4e: {  	v4 =	vperm.xlane v3, v0;
	_ =	sdelay $0x1  }
0x4f: {  	v4 =	vadd.s32 v1, v4;
	_ =	sdelay $0x4  }
0x50: {  	[hbm4b:s3+s2] =	stream.indirect_vreg.scatter [tilespmem:s11], [sflag:$0x1], $0x80, v4, vm0, $0xb8;
	[tilespmem:$0x10100] =	vst v63  }
0x51: {  	v3 =	vperm.xlane v3, v2  }
0x52: {  	[hbm4b:s4+s2] =	stream.indirect_vreg.scatter [tilespmem:s12], [sflag:$0x1], $0x80, v4, vm0, $0xb8;
	[tilespmem:$0x10100] =	vst v63  }
0x53: {  	v3 =	vadd.s32 v1, v3  }
0x54: {  	[hbm4b:s5+s2] =	stream.indirect_vreg.scatter [tilespmem:s13], [sflag:$0x1], $0x80, v4, vm0, $0xb8;
	[tilespmem:$0x10100] =	vst v63  }
0x55: {  	_ = 	snop  }
0x56: {  	[hbm4b:s6+s2] =	stream.indirect_vreg.scatter [tilespmem:s14], [sflag:$0x1], $0x80, v4, vm0, $0xb8;
	[tilespmem:$0x10100] =	vst v63  }
0x57: {  	_ = 	snop  }
0x58: {  	[hbm4b:s3+s2] =	stream.indirect_vreg.scatter [tilespmem:s15], [sflag:$0x1], $0x80, v3, vm0, $0xb8;
	[tilespmem:$0x10100] =	vst v63  }
0x59: {  	_ = 	snop  }
0x5a: {  	[hbm4b:s4+s2] =	stream.indirect_vreg.scatter [tilespmem:s16], [sflag:$0x1], $0x80, v3, vm0, $0xb8;
	[tilespmem:$0x10100] =	vst v63  }
0x5b: {  	_ = 	snop  }
0x5c: {  	[hbm4b:s5+s2] =	stream.indirect_vreg.scatter [tilespmem:s17], [sflag:$0x1], $0x80, v3, vm0, $0xb8;
	[tilespmem:$0x10100] =	vst v63  }
0x5d: {  	_ = 	snop  }
0x5e: {  	[hbm4b:s6+s2] =	stream.indirect_vreg.scatter [tilespmem:s9], [sflag:$0x1], $0x80, v3, vm0, $0xb8;
	[tilespmem:$0x10100] =	vst v63  }
0x5f: {  	v3 =	vld [tilespmem:$0x30];
	_ =	sdelay $0x4  }
0x60: {  	v59 =	vshll.u32 v3, $0x3  }
0x61: {  	v3 =	vand.u32 $0x7, v3;
	v4 =	vand.u32 $0xFFFFFFC0, v59  }
0x62: {  	v3 =	vor.u32 v3, v4  }
0x63: {  	v4 =	vperm.xlane v3, v0;
	_ =	sdelay $0x1  }
0x64: {  	v4 =	vadd.s32 v1, v4;
	_ =	sdelay $0x3  }
0x65: {  	s0 =	simm.s32 $0xC100  }
0x66: {  	[hbm4b:s3+s2] =	stream.indirect_vreg.scatter [tilespmem:s0], [sflag:$0x1], $0x80, v4, vm0, $0xb8;
	[tilespmem:$0x10100] =	vst v63  }
0x67: {  	v3 =	vperm.xlane v3, v2;
	s0 =	simm.s32 $0xC900  }
0x68: {  	[hbm4b:s4+s2] =	stream.indirect_vreg.scatter [tilespmem:s0], [sflag:$0x1], $0x80, v4, vm0, $0xb8;
	[tilespmem:$0x10100] =	vst v63  }
0x69: {  	v3 =	vadd.s32 v1, v3;
	s0 =	simm.s32 $0xD100  }
0x6a: {  	[hbm4b:s5+s2] =	stream.indirect_vreg.scatter [tilespmem:s0], [sflag:$0x1], $0x80, v4, vm0, $0xb8;
	[tilespmem:$0x10100] =	vst v63  }
0x6b: {  	s0 =	simm.s32 $0xD900  }
0x6c: {  	[hbm4b:s6+s2] =	stream.indirect_vreg.scatter [tilespmem:s0], [sflag:$0x1], $0x80, v4, vm0, $0xb8;
	[tilespmem:$0x10100] =	vst v63  }
0x6d: {  	s0 =	simm.s32 $0xE100  }
0x6e: {  	[hbm4b:s3+s2] =	stream.indirect_vreg.scatter [tilespmem:s0], [sflag:$0x1], $0x80, v3, vm0, $0xb8;
	[tilespmem:$0x10100] =	vst v63  }
0x6f: {  	s0 =	simm.s32 $0xE900  }
0x70: {  	[hbm4b:s4+s2] =	stream.indirect_vreg.scatter [tilespmem:s0], [sflag:$0x1], $0x80, v3, vm0, $0xb8;
	[tilespmem:$0x10100] =	vst v63  }
0x71: {  	s0 =	simm.s32 $0xF100  }
0x72: {  	[hbm4b:s5+s2] =	stream.indirect_vreg.scatter [tilespmem:s0], [sflag:$0x1], $0x80, v3, vm0, $0xb8;
	[tilespmem:$0x10100] =	vst v63  }
0x73: {  	s0 =	simm.s32 $0xF900  }
0x74: {  	[hbm4b:s6+s2] =	stream.indirect_vreg.scatter [tilespmem:s0], [sflag:$0x1], $0x80, v3, vm0, $0xb8;
	[tilespmem:$0x10100] =	vst v63  }
0x75: {  	v3 =	vld [tilespmem:$0x80];
	_ =	sdelay $0x4  }
0x76: {  	v60 =	vshll.u32 v3, $0x3  }
0x77: {  	v3 =	vand.u32 $0x7, v3;
	v4 =	vand.u32 $0xFFFFFFC0, v60  }
0x78: {  	v3 =	vor.u32 v3, v4  }
0x79: {  	v4 =	vperm.xlane v3, v0;
	_ =	sdelay $0x1  }
0x7a: {  	v4 =	vadd.s32 v1, v4;
	_ =	sdelay $0x4  }
0x7b: {  	[hbm4b:s3+s2] =	stream.indirect_vreg.scatter [tilespmem:s18], [sflag:$0x1], $0x80, v4, vm0, $0xb8;
	[tilespmem:$0x10100] =	vst v63  }
0x7c: {  	v3 =	vperm.xlane v3, v2  }
0x7d: {  	[hbm4b:s4+s2] =	stream.indirect_vreg.scatter [tilespmem:s19], [sflag:$0x1], $0x80, v4, vm0, $0xb8;
	[tilespmem:$0x10100] =	vst v63  }
0x7e: {  	v3 =	vadd.s32 v1, v3  }
0x7f: {  	[hbm4b:s5+s2] =	stream.indirect_vreg.scatter [tilespmem:s20], [sflag:$0x1], $0x80, v4, vm0, $0xb8;
	[tilespmem:$0x10100] =	vst v63  }
0x80: {  	_ = 	snop  }
0x81: {  	[hbm4b:s6+s2] =	stream.indirect_vreg.scatter [tilespmem:s21], [sflag:$0x1], $0x80, v4, vm0, $0xb8;
	[tilespmem:$0x10100] =	vst v63  }
0x82: {  	_ = 	snop  }
0x83: {  	[hbm4b:s3+s2] =	stream.indirect_vreg.scatter [tilespmem:s22], [sflag:$0x1], $0x80, v3, vm0, $0xb8;
	[tilespmem:$0x10100] =	vst v63  }
0x84: {  	_ = 	snop  }
0x85: {  	[hbm4b:s4+s2] =	stream.indirect_vreg.scatter [tilespmem:s23], [sflag:$0x1], $0x80, v3, vm0, $0xb8;
	[tilespmem:$0x10100] =	vst v63  }
0x86: {  	_ = 	snop  }
0x87: {  	[hbm4b:s5+s2] =	stream.indirect_vreg.scatter [tilespmem:s24], [sflag:$0x1], $0x80, v3, vm0, $0xb8;
	[tilespmem:$0x10100] =	vst v63  }
0x88: {  	_ = 	snop  }
0x89: {  	[hbm4b:s6+s2] =	stream.indirect_vreg.scatter [tilespmem:s25], [sflag:$0x1], $0x80, v3, vm0, $0xb8;
	[tilespmem:$0x10100] =	vst v63  }
0x8a: {  	v3 =	vld [tilespmem:$0x90];
	_ =	sdelay $0x4  }
0x8b: {  	v61 =	vshll.u32 v3, $0x3  }
0x8c: {  	v3 =	vand.u32 $0x7, v3;
	v4 =	vand.u32 $0xFFFFFFC0, v61  }
0x8d: {  	v3 =	vor.u32 v3, v4  }
0x8e: {  	v4 =	vperm.xlane v3, v0;
	_ =	sdelay $0x1  }
0x8f: {  	v4 =	vadd.s32 v1, v4;
	_ =	sdelay $0x4  }
0x90: {  	[hbm4b:s3+s2] =	stream.indirect_vreg.scatter [tilespmem:s26], [sflag:$0x1], $0x80, v4, vm0, $0xb8;
	[tilespmem:$0x10100] =	vst v63  }
0x91: {  	v3 =	vperm.xlane v3, v2  }
0x92: {  	[hbm4b:s4+s2] =	stream.indirect_vreg.scatter [tilespmem:s28], [sflag:$0x1], $0x80, v4, vm0, $0xb8;
	[tilespmem:$0x10100] =	vst v63  }
0x93: {  	v3 =	vadd.s32 v1, v3  }
0x94: {  	[hbm4b:s5+s2] =	stream.indirect_vreg.scatter [tilespmem:s29], [sflag:$0x1], $0x80, v4, vm0, $0xb8;
	[tilespmem:$0x10100] =	vst v63  }
0x95: {  	_ = 	snop  }
0x96: {  	[hbm4b:s6+s2] =	stream.indirect_vreg.scatter [tilespmem:s30], [sflag:$0x1], $0x80, v4, vm0, $0xb8;
	[tilespmem:$0x10100] =	vst v63  }
0x97: {  	_ = 	snop  }
0x98: {  	[hbm4b:s3+s2] =	stream.indirect_vreg.scatter [tilespmem:s31], [sflag:$0x1], $0x80, v3, vm0, $0xb8;
	[tilespmem:$0x10100] =	vst v63  }
0x99: {  	_ = 	snop  }
0x9a: {  	[hbm4b:s4+s2] =	stream.indirect_vreg.scatter [tilespmem:s1], [sflag:$0x1], $0x80, v3, vm0, $0xb8;
	[tilespmem:$0x10100] =	vst v63  }
0x9b: {  	s20 =	simm.s32 $0x7100  }
0x9c: {  	[hbm4b:s5+s2] =	stream.indirect_vreg.scatter [tilespmem:s20], [sflag:$0x1], $0x80, v3, vm0, $0xb8;
	[tilespmem:$0x10100] =	vst v63  }
0x9d: {  	_ = 	snop  }
0x9e: {  	[hbm4b:s6+s2] =	stream.indirect_vreg.scatter [tilespmem:s10], [sflag:$0x1], $0x80, v3, vm0, $0xb8;
	[tilespmem:$0x10100] =	vst v63  }
0x9f: {  	v3 =	vld [tilespmem:$0xA0];
	_ =	sdelay $0x4  }
0xa0: {  	v62 =	vshll.u32 v3, $0x3  }
0xa1: {  	v3 =	vand.u32 $0x7, v3;
	v4 =	vand.u32 $0xFFFFFFC0, v62  }
0xa2: {  	v3 =	vor.u32 v3, v4  }
0xa3: {  	v4 =	vperm.xlane v3, v0;
	_ =	sdelay $0x1  }
0xa4: {  	v4 =	vadd.s32 v1, v4;
	_ =	sdelay $0x4  }
0xa5: {  	[hbm4b:s3+s2] =	stream.indirect_vreg.scatter [tilespmem:s11], [sflag:$0x1], $0x80, v4, vm0, $0xb8;
	[tilespmem:$0x10100] =	vst v63  }
0xa6: {  	v3 =	vperm.xlane v3, v2  }
0xa7: {  	[hbm4b:s4+s2] =	stream.indirect_vreg.scatter [tilespmem:s12], [sflag:$0x1], $0x80, v4, vm0, $0xb8;
	[tilespmem:$0x10100] =	vst v63  }
0xa8: {  	v3 =	vadd.s32 v1, v3  }
0xa9: {  	[hbm4b:s5+s2] =	stream.indirect_vreg.scatter [tilespmem:s13], [sflag:$0x1], $0x80, v4, vm0, $0xb8;
	[tilespmem:$0x10100] =	vst v63  }
0xaa: {  	_ = 	snop  }
0xab: {  	[hbm4b:s6+s2] =	stream.indirect_vreg.scatter [tilespmem:s14], [sflag:$0x1], $0x80, v4, vm0, $0xb8;
	[tilespmem:$0x10100] =	vst v63  }
0xac: {  	_ = 	snop  }
0xad: {  	[hbm4b:s3+s2] =	stream.indirect_vreg.scatter [tilespmem:s15], [sflag:$0x1], $0x80, v3, vm0, $0xb8;
	[tilespmem:$0x10100] =	vst v63  }
0xae: {  	_ = 	snop  }
0xaf: {  	[hbm4b:s4+s2] =	stream.indirect_vreg.scatter [tilespmem:s16], [sflag:$0x1], $0x80, v3, vm0, $0xb8;
	[tilespmem:$0x10100] =	vst v63  }
0xb0: {  	_ = 	snop  }
0xb1: {  	[hbm4b:s5+s2] =	stream.indirect_vreg.scatter [tilespmem:s17], [sflag:$0x1], $0x80, v3, vm0, $0xb8;
	[tilespmem:$0x10100] =	vst v63  }
0xb2: {  	_ = 	snop  }
0xb3: {  	[hbm4b:s6+s2] =	stream.indirect_vreg.scatter [tilespmem:s9], [sflag:$0x1], $0x80, v3, vm0, $0xb8;
	[tilespmem:$0x10100] =	vst v63  }
0xb4: {  	v3 =	vld [tilespmem:$0xB0];
	_ =	sdelay $0x4  }
0xb5: {  	v63 =	vshll.u32 v3, $0x3  }
0xb6: {  	v3 =	vand.u32 $0x7, v3;
	v4 =	vand.u32 $0xFFFFFFC0, v63  }
0xb7: {  	v3 =	vor.u32 v3, v4  }
0xb8: {  	v4 =	vperm.xlane v3, v0;
	_ =	sdelay $0x1  }
0xb9: {  	v4 =	vadd.s32 v1, v4;
	_ =	sdelay $0x3  }
0xba: {  	s19 =	simm.s32 $0xC100  }
0xbb: {  	[hbm4b:s3+s2] =	stream.indirect_vreg.scatter [tilespmem:s19], [sflag:$0x1], $0x80, v4, vm0, $0xb8;
	[tilespmem:$0x10100] =	vst v63  }
0xbc: {  	s20 =	simm.s32 $0xC900;
	v3 =	vperm.xlane v3, v2  }
0xbd: {  	[hbm4b:s4+s2] =	stream.indirect_vreg.scatter [tilespmem:s20], [sflag:$0x1], $0x80, v4, vm0, $0xb8;
	[tilespmem:$0x10100] =	vst v63  }
0xbe: {  	v3 =	vadd.s32 v1, v3;
	s19 =	simm.s32 $0xD100  }
0xbf: {  	[hbm4b:s5+s2] =	stream.indirect_vreg.scatter [tilespmem:s19], [sflag:$0x1], $0x80, v4, vm0, $0xb8;
	[tilespmem:$0x10100] =	vst v63  }
0xc0: {  	s20 =	simm.s32 $0xD900  }
0xc1: {  	[hbm4b:s6+s2] =	stream.indirect_vreg.scatter [tilespmem:s20], [sflag:$0x1], $0x80, v4, vm0, $0xb8;
	[tilespmem:$0x10100] =	vst v63  }
0xc2: {  	s19 =	simm.s32 $0xE100  }
0xc3: {  	[hbm4b:s3+s2] =	stream.indirect_vreg.scatter [tilespmem:s19], [sflag:$0x1], $0x80, v3, vm0, $0xb8;
	[tilespmem:$0x10100] =	vst v63  }
0xc4: {  	s20 =	simm.s32 $0xE900  }
0xc5: {  	[hbm4b:s4+s2] =	stream.indirect_vreg.scatter [tilespmem:s20], [sflag:$0x1], $0x80, v3, vm0, $0xb8;
	[tilespmem:$0x10100] =	vst v63  }
0xc6: {  	s19 =	simm.s32 $0xF100  }
0xc7: {  	[hbm4b:s5+s2] =	stream.indirect_vreg.scatter [tilespmem:s19], [sflag:$0x1], $0x80, v3, vm0, $0xb8;
	[tilespmem:$0x10100] =	vst v63  }
0xc8: {  	s20 =	simm.s32 $0x1  }
0xc9: {  	[hbm4b:s6+s2] =	stream.indirect_vreg.scatter [tilespmem:s0], [sflag:$0x1], $0x80, v3, vm0, $0xb8;
	[tilespmem:$0x10100] =	vst v63  }
0xca: {  	p0 =	sne.s32 s7, $0x1;
	_ =	swait.ge [sflag:s20], $0x10000  }
.Ltmp0:
0xcb: {  	[sflag:s20] =	ssyncset.done $0x0;
	(pc) =	sbr.rel @p0 .LBB2_1-.Ltmp0, $4  }
0xcc: {  	[sflag:s20] =	ssyncadd.s32 $0xFFFF0000  }
0xcd: {  	_ =	swait.ge [sflag:s20], $0x10000  }
0xce: {  	[sflag:s20] =	ssyncset.done $0x0  }
0xcf: {  	s7 =	sadd.s32 $0xFFFFFFFF, s7;
	[sflag:s20] =	ssyncadd.s32 $0xFFFF0000  }
0xd0: {  	_ =	sfence.sel $0x180000  }
0xd1: {  	[bflag:$0x0] =	sbarrier.arrive $0xFFFF  }
0xd2: {  	_ =	strace $0x90000047  }
0xd3: {  	s0 =	stileid.u32;
	[bflag:$0x2] =	sbarrier.arrive $0xFFFF  }
0xd4: {  	p0 =	sne.s32 s0, $0x0;
	s0 =	rddreg [dreg:$0x2]  }
0xd5: {  	s0 =	sadd.s32 @!p0 $0x100000, s0  }
0xd6: {  	[sflag:s0] =	ssyncadd.tile.s32 @!p0 $0x1;
	_ =	shalt  }
.Lfunc_end2:
_tile_overlayer_lowered:
.L_overlay_start_2:
0xd7: {  	(tag) =	ssettag $0x2  }
0xd8: {  	s0 =	rddreg [dreg:$0x0];
	s2 =	stileid.u32  }
0xd9: {  	s1 =	rddreg [dreg:$0x1];
	p0 =	sne.s32 s2, $0x0  }
0xda: {  	s3 =	rddreg [dreg:$0x2];
	[bflag:$0x3] =	sbarrier.arrive $0xFFFF;
	s2 =	simm.s32 @!p0 $0x1C02  }
0xdb: {  	[timem:s3], [sflag:s2] =	dma.local @!p0 [hbm:s0], s1  }
0xdc: {  	s0 =	simm.s32 @!p0 $0x2  }
0xdd: {  	_ =	swait.ge @!p0 [sflag:s0], s1  }
0xde: {  	s1 =	ssub.s32 @!p0 $0x0, s1;
	[sflag:s0] =	ssyncset.done @!p0 $0x0  }
0xdf: {  	[sflag:s0] =	ssyncadd.s32 @!p0 s1  }
0xe0: {  	[bflag:$0x3] =	sbarrier.arrive $0xFFFF  }
0xe1: {  	_ =	shalt  }

</sc_bundles>
